<compile_context>
chip_gen: v7x
topology: tpu7x:2x2x1
jax: 0.10.2.dev20260603
libtpu: 0.0.44.dev20260713+nightly
codegen_flags: <defaults>
</compile_context>

<pallas_src>
import functools

import jax
import jax.numpy as jnp
from jax import lax
from jax.experimental import pallas as pl
from jax.experimental.pallas import tpu as pltpu
from jax.experimental.pallas import tpu_sc as plsc

NC = 2
NS = 16
NW = NC * NS
CH = 40
NBUF = 10


@functools.partial(jax.jit, static_argnames=("n_ch", "d"))
def _embedding_gather(idx1d, weight, n_ch, d):
    total_rows = idx1d.shape[0]
    per_w = n_ch * CH
    n_rounds = n_ch // NBUF
    n_tail = n_ch - n_rounds * NBUF
    v_rows = weight.shape[0]
    rows_per_tile = v_rows // NS
    mesh = plsc.VectorSubcoreMesh(
        core_axis_name="c", subcore_axis_name="s", num_cores=NC, num_subcores=NS
    )

    @functools.partial(
        pl.kernel,
        out_type=jax.ShapeDtypeStruct((total_rows, d), weight.dtype),
        mesh=mesh,
        scratch_types=[
            pltpu.VMEM((per_w,), jnp.int32),
            pltpu.VMEM((NBUF, CH, d), weight.dtype),
            pltpu.VMEM_SHARED((v_rows, d), weight.dtype),
            pltpu.SemaphoreType.DMA((NBUF,)),
            pltpu.SemaphoreType.DMA((NBUF,)),
            pltpu.SemaphoreType.DMA,
        ],
    )
    def k(table_hbm, idx_hbm, out_hbm, idx_v, buf_v, table_sh, gsem, ssem, lsem):
        wid = lax.axis_index("s") * NC + lax.axis_index("c")
        sid = lax.axis_index("s")
        row0 = wid * per_w
        t_cp = pltpu.async_copy(
            table_hbm.at[pl.ds(sid * rows_per_tile, rows_per_tile)],
            table_sh.at[pl.ds(sid * rows_per_tile, rows_per_tile)],
            lsem,
        )
        i_cp = pltpu.async_copy(idx_hbm.at[pl.ds(row0, per_w)], idx_v, gsem.at[0])
        i_cp.wait()

        def gather_start_hbm(j, b):
            pltpu.async_copy(
                table_hbm.at[idx_v.at[pl.ds(j * CH, CH)]], buf_v.at[b], gsem.at[b]
            )

        def gather_start(j, b):
            pltpu.async_copy(
                table_sh.at[idx_v.at[pl.ds(j * CH, CH)]], buf_v.at[b], gsem.at[b]
            )

        def gather_wait(b):
            pltpu.make_async_copy(
                table_hbm.at[pl.ds(0, CH)], buf_v.at[b], gsem.at[b]
            ).wait()

        def store_start(j, b):
            pltpu.async_copy(
                buf_v.at[b], out_hbm.at[pl.ds(row0 + j * CH, CH)], ssem.at[b]
            )

        def store_wait(b):
            pltpu.make_async_copy(
                buf_v.at[b], out_hbm.at[pl.ds(row0, CH)], ssem.at[b]
            ).wait()

        for b in range(NBUF):
            gather_start_hbm(b, b)
        t_cp.wait()
        plsc.subcore_barrier()

        def round_body(r, carry):
            j0 = r * NBUF
            for b in range(NBUF):
                gather_wait(b)
                store_start(j0 + b, b)

            @pl.when(r < n_rounds - 1)
            def _():
                for b in range(NBUF):
                    store_wait(b)
                    gather_start(j0 + NBUF + b, b)

            return carry

        lax.fori_loop(0, n_rounds, round_body, 0)

        j0 = n_rounds * NBUF
        for b in range(n_tail):
            store_wait(b)
            gather_start(j0 + b, b)
        for b in range(n_tail):
            gather_wait(b)
            store_start(j0 + b, b)
        for b in range(n_tail, NBUF):
            store_wait(b)
        for b in range(n_tail):
            store_wait(b)

    return k(weight, idx1d)


def kernel(indexes, weight):
    b, h = indexes.shape
    v, d = weight.shape
    total = b * h
    assert total % (CH * NW) == 0
    n_ch = total // (CH * NW)
    idx1d = indexes.astype(jnp.int32).reshape(total)
    out = _embedding_gather(idx1d, weight, n_ch, d)
    return out.reshape(b, h, d)

# --- scband reference (transcript-rebuilt; emitter-appended) ---
"""Pipeline reference for scband-pos-embedding1-d-50835232916085 (READ-ONLY COPY).

The authoritative reference and input builder live on the scoring server;
editing this copy changes nothing except your own understanding.
"""

import jax, jax.numpy as jnp
import numpy as np

SEQ_LEN = 8192
EMBED_DIM = 128
BATCH = 1024
HIST = 200

def setup_inputs(seed: int = 0) -> dict:
    key = jax.random.key(seed)
    k_idx, k_w = jax.random.split(key)
    indexes = jax.random.randint(k_idx, (BATCH, HIST), 0, SEQ_LEN, dtype=jnp.int64 if jax.config.jax_enable_x64 else jnp.int32)
    # learnable positional embedding table (nn.Embedding default init: N(0,1))
    weight = jax.random.normal(k_w, (SEQ_LEN, EMBED_DIM), dtype=jnp.float32)
    return {"indexes": indexes, "weight": weight}

def reference(indexes, weight):
    # PosEmbedding1D.forward with learnable=True and indexes provided:
    # pos_embs = self.pos_emb_module(indexes) -> (N, seq_len, embed_dim)
    pos_embs = jnp.take(weight, indexes, axis=0)
    return pos_embs

if __name__ == "__main__":
    import jax
    _d = setup_inputs()
    print(jax.jit(kernel)(*tuple(_d.values())))

</pallas_src>

<mosaic_0001>
#map = affine_map<(d0, d1) -> (0, 0)>
#map1 = affine_map<(d0, d1) -> (0)>
module attributes {stable_mosaic.version = 14 : i64} {
  func.func @k(%arg0: i32, %arg1: i32, %arg2: memref<8192x128xf32, #tpu.memory_space<hbm>>, %arg3: memref<204800xi32, #tpu.memory_space<hbm>>, %arg4: memref<204800x128xf32, #tpu.memory_space<hbm>>, %arg5: memref<6400xi32, #tpu.memory_space<vmem>>, %arg6: memref<10x40x128xf32, #tpu.memory_space<vmem>>, %arg7: memref<8192x128xf32, #tpu.memory_space<vmem_shared>>, %arg8: memref<10x!tpu.dma_semaphore, #tpu.memory_space<semaphore_mem>>, %arg9: memref<10x!tpu.dma_semaphore, #tpu.memory_space<semaphore_mem>>, %arg10: memref<!tpu.dma_semaphore, #tpu.memory_space<semaphore_mem>>) attributes {dimension_semantics = [#tpu.dimension_semantics<core_parallel>, #tpu.dimension_semantics<subcore_parallel>], iteration_bounds = array<i64: 2, 16>, scalar_prefetch = 0 : i64, scratch_operands = 6 : i64, tpu.core_type = #tpu.core_type<sc_vector_subcore>, window_params = [{transform_indices = #map}, {transform_indices = #map1}, {transform_indices = #map}]} {
    %mul3A = arith.constant 2 : i32
    %mul3A_0 = arith.muli %arg1, %mul3A : i32
    %add3A = arith.addi %mul3A_0, %arg0 : i32
    %mul3A_1 = arith.constant 6400 : i32
    %mul3A_2 = arith.muli %add3A, %mul3A_1 : i32
    %mul3A_3 = arith.constant 512 : i32
    %mul3A_4 = arith.muli %arg1, %mul3A_3 : i32
    %mul3A_5 = arith.constant 512 : i32
    %mul3A_6 = arith.muli %arg1, %mul3A_5 : i32
    %dma_start3A = arith.constant 0 : i32
    %dma_start3A_7 = tpu.memref_slice %arg7[%mul3A_6, %dma_start3A] : memref<8192x128xf32, #tpu.memory_space<vmem_shared>> -> memref<512x128xf32, #tpu.memory_space<vmem_shared>>
    %dma_start3A_8 = arith.constant 0 : i32
    %dma_start3A_9 = tpu.memref_slice %arg2[%mul3A_4, %dma_start3A_8] : memref<8192x128xf32, #tpu.memory_space<hbm>> -> memref<512x128xf32, #tpu.memory_space<hbm>>
    tpu.enqueue_dma source(%dma_start3A_9 : memref<512x128xf32, #tpu.memory_space<hbm>>) target(%dma_start3A_7 : memref<512x128xf32, #tpu.memory_space<vmem_shared>>) target_semaphore(%arg10 : memref<!tpu.dma_semaphore, #tpu.memory_space<semaphore_mem>>)
    %dma_start3A_10 = arith.constant 0 : i32
    %dma_start3A_11 = tpu.memref_slice %arg3[%mul3A_2] : memref<204800xi32, #tpu.memory_space<hbm>> -> memref<6400xi32, #tpu.memory_space<hbm>>
    %dma_start3A_12 = tpu.memref_slice %arg8[%dma_start3A_10] : memref<10x!tpu.dma_semaphore, #tpu.memory_space<semaphore_mem>> -> memref<1x!tpu.dma_semaphore, #tpu.memory_space<semaphore_mem>>
    %dma_start3A_13 = tpu.memref_squeeze %dma_start3A_12 : memref<1x!tpu.dma_semaphore, #tpu.memory_space<semaphore_mem>> -> memref<!tpu.dma_semaphore, #tpu.memory_space<semaphore_mem>>
    %dma_start3A_14 = tpu.memref_slice %arg3[%mul3A_2] : memref<204800xi32, #tpu.memory_space<hbm>> -> memref<6400xi32, #tpu.memory_space<hbm>>
    tpu.enqueue_dma source(%dma_start3A_14 : memref<6400xi32, #tpu.memory_space<hbm>>) target(%arg5 : memref<6400xi32, #tpu.memory_space<vmem>>) target_semaphore(%dma_start3A_13 : memref<!tpu.dma_semaphore, #tpu.memory_space<semaphore_mem>>)
    %dma_wait3A = arith.constant 0 : i32
    %dma_wait3A_15 = tpu.memref_slice %arg3[%mul3A_2] : memref<204800xi32, #tpu.memory_space<hbm>> -> memref<6400xi32, #tpu.memory_space<hbm>>
    %dma_wait3A_16 = tpu.memref_slice %arg8[%dma_wait3A] : memref<10x!tpu.dma_semaphore, #tpu.memory_space<semaphore_mem>> -> memref<1x!tpu.dma_semaphore, #tpu.memory_space<semaphore_mem>>
    %dma_wait3A_17 = tpu.memref_squeeze %dma_wait3A_16 : memref<1x!tpu.dma_semaphore, #tpu.memory_space<semaphore_mem>> -> memref<!tpu.dma_semaphore, #tpu.memory_space<semaphore_mem>>
    %dma_wait3A_18 = tpu.memref_slice %arg3[%mul3A_2] : memref<204800xi32, #tpu.memory_space<hbm>> -> memref<6400xi32, #tpu.memory_space<hbm>>
    tpu.wait_dma2 semaphore(%dma_wait3A_17 : memref<!tpu.dma_semaphore, #tpu.memory_space<semaphore_mem>>) src(%dma_wait3A_18 : memref<6400xi32, #tpu.memory_space<hbm>>) dst(%arg5 : memref<6400xi32, #tpu.memory_space<vmem>>)
    %dma_start3A_19 = arith.constant 0 : i32
    %dma_start3A_20 = arith.constant 0 : i32
    %dma_start3A_21 = arith.constant 0 : i32
    %dma_start3A_22 = arith.constant 0 : i32
    %dma_start3A_23 = tpu.memref_slice %arg6[%dma_start3A_19, %dma_start3A_21, %dma_start3A_22] : memref<10x40x128xf32, #tpu.memory_space<vmem>> -> memref<1x40x128xf32, #tpu.memory_space<vmem>>
    %dma_start3A_24 = tpu.memref_squeeze %dma_start3A_23 : memref<1x40x128xf32, #tpu.memory_space<vmem>> -> memref<40x128xf32, #tpu.memory_space<vmem>>
    %dma_start3A_25 = arith.constant 0 : i32
    %dma_start3A_26 = tpu.memref_slice %arg5[%dma_start3A_25] : memref<6400xi32, #tpu.memory_space<vmem>> -> memref<40xi32, #tpu.memory_space<vmem>>
    %dma_start3A_27 = arith.constant 0 : i32
    %dma_start3A_28 = arith.constant 0 : i32
    %dma_start3A_29 = tpu.memref_slice %arg2[%dma_start3A_27, %dma_start3A_28] : memref<8192x128xf32, #tpu.memory_space<hbm>> -> memref<8192x128xf32, #tpu.memory_space<hbm>>
    %dma_start3A_30 = tpu.memref_slice %arg8[%dma_start3A_20] : memref<10x!tpu.dma_semaphore, #tpu.memory_space<semaphore_mem>> -> memref<1x!tpu.dma_semaphore, #tpu.memory_space<semaphore_mem>>
    %dma_start3A_31 = tpu.memref_squeeze %dma_start3A_30 : memref<1x!tpu.dma_semaphore, #tpu.memory_space<semaphore_mem>> -> memref<!tpu.dma_semaphore, #tpu.memory_space<semaphore_mem>>
    tpu.enqueue_indirect_dma source(%dma_start3A_29 : memref<8192x128xf32, #tpu.memory_space<hbm>>) target(%dma_start3A_24 : memref<40x128xf32, #tpu.memory_space<vmem>>) offsets(%dma_start3A_26 : memref<40xi32, #tpu.memory_space<vmem>>) semaphore(%dma_start3A_31 : memref<!tpu.dma_semaphore, #tpu.memory_space<semaphore_mem>>)
    %dma_start3A_32 = arith.constant 1 : i32
    %dma_start3A_33 = arith.constant 1 : i32
    %dma_start3A_34 = arith.constant 0 : i32
    %dma_start3A_35 = arith.constant 0 : i32
    %dma_start3A_36 = tpu.memref_slice %arg6[%dma_start3A_32, %dma_start3A_34, %dma_start3A_35] : memref<10x40x128xf32, #tpu.memory_space<vmem>> -> memref<1x40x128xf32, #tpu.memory_space<vmem>>
    %dma_start3A_37 = tpu.memref_squeeze %dma_start3A_36 : memref<1x40x128xf32, #tpu.memory_space<vmem>> -> memref<40x128xf32, #tpu.memory_space<vmem>>
    %dma_start3A_38 = arith.constant 40 : i32
    %dma_start3A_39 = tpu.memref_slice %arg5[%dma_start3A_38] : memref<6400xi32, #tpu.memory_space<vmem>> -> memref<40xi32, #tpu.memory_space<vmem>>
    %dma_start3A_40 = arith.constant 0 : i32
    %dma_start3A_41 = arith.constant 0 : i32
    %dma_start3A_42 = tpu.memref_slice %arg2[%dma_start3A_40, %dma_start3A_41] : memref<8192x128xf32, #tpu.memory_space<hbm>> -> memref<8192x128xf32, #tpu.memory_space<hbm>>
    %dma_start3A_43 = tpu.memref_slice %arg8[%dma_start3A_33] : memref<10x!tpu.dma_semaphore, #tpu.memory_space<semaphore_mem>> -> memref<1x!tpu.dma_semaphore, #tpu.memory_space<semaphore_mem>>
    %dma_start3A_44 = tpu.memref_squeeze %dma_start3A_43 : memref<1x!tpu.dma_semaphore, #tpu.memory_space<semaphore_mem>> -> memref<!tpu.dma_semaphore, #tpu.memory_space<semaphore_mem>>
    tpu.enqueue_indirect_dma source(%dma_start3A_42 : memref<8192x128xf32, #tpu.memory_space<hbm>>) target(%dma_start3A_37 : memref<40x128xf32, #tpu.memory_space<vmem>>) offsets(%dma_start3A_39 : memref<40xi32, #tpu.memory_space<vmem>>) semaphore(%dma_start3A_44 : memref<!tpu.dma_semaphore, #tpu.memory_space<semaphore_mem>>)
    %dma_start3A_45 = arith.constant 2 : i32
    %dma_start3A_46 = arith.constant 2 : i32
    %dma_start3A_47 = arith.constant 0 : i32
    %dma_start3A_48 = arith.constant 0 : i32
    %dma_start3A_49 = tpu.memref_slice %arg6[%dma_start3A_45, %dma_start3A_47, %dma_start3A_48] : memref<10x40x128xf32, #tpu.memory_space<vmem>> -> memref<1x40x128xf32, #tpu.memory_space<vmem>>
    %dma_start3A_50 = tpu.memref_squeeze %dma_start3A_49 : memref<1x40x128xf32, #tpu.memory_space<vmem>> -> memref<40x128xf32, #tpu.memory_space<vmem>>
    %dma_start3A_51 = arith.constant 80 : i32
    %dma_start3A_52 = tpu.memref_slice %arg5[%dma_start3A_51] : memref<6400xi32, #tpu.memory_space<vmem>> -> memref<40xi32, #tpu.memory_space<vmem>>
    %dma_start3A_53 = arith.constant 0 : i32
    %dma_start3A_54 = arith.constant 0 : i32
    %dma_start3A_55 = tpu.memref_slice %arg2[%dma_start3A_53, %dma_start3A_54] : memref<8192x128xf32, #tpu.memory_space<hbm>> -> memref<8192x128xf32, #tpu.memory_space<hbm>>
    %dma_start3A_56 = tpu.memref_slice %arg8[%dma_start3A_46] : memref<10x!tpu.dma_semaphore, #tpu.memory_space<semaphore_mem>> -> memref<1x!tpu.dma_semaphore, #tpu.memory_space<semaphore_mem>>
    %dma_start3A_57 = tpu.memref_squeeze %dma_start3A_56 : memref<1x!tpu.dma_semaphore, #tpu.memory_space<semaphore_mem>> -> memref<!tpu.dma_semaphore, #tpu.memory_space<semaphore_mem>>
    tpu.enqueue_indirect_dma source(%dma_start3A_55 : memref<8192x128xf32, #tpu.memory_space<hbm>>) target(%dma_start3A_50 : memref<40x128xf32, #tpu.memory_space<vmem>>) offsets(%dma_start3A_52 : memref<40xi32, #tpu.memory_space<vmem>>) semaphore(%dma_start3A_57 : memref<!tpu.dma_semaphore, #tpu.memory_space<semaphore_mem>>)
    %dma_start3A_58 = arith.constant 3 : i32
    %dma_start3A_59 = arith.constant 3 : i32
    %dma_start3A_60 = arith.constant 0 : i32
    %dma_start3A_61 = arith.constant 0 : i32
    %dma_start3A_62 = tpu.memref_slice %arg6[%dma_start3A_58, %dma_start3A_60, %dma_start3A_61] : memref<10x40x128xf32, #tpu.memory_space<vmem>> -> memref<1x40x128xf32, #tpu.memory_space<vmem>>
    %dma_start3A_63 = tpu.memref_squeeze %dma_start3A_62 : memref<1x40x128xf32, #tpu.memory_space<vmem>> -> memref<40x128xf32, #tpu.memory_space<vmem>>
    %dma_start3A_64 = arith.constant 120 : i32
    %dma_start3A_65 = tpu.memref_slice %arg5[%dma_start3A_64] : memref<6400xi32, #tpu.memory_space<vmem>> -> memref<40xi32, #tpu.memory_space<vmem>>
    %dma_start3A_66 = arith.constant 0 : i32
    %dma_start3A_67 = arith.constant 0 : i32
    %dma_start3A_68 = tpu.memref_slice %arg2[%dma_start3A_66, %dma_start3A_67] : memref<8192x128xf32, #tpu.memory_space<hbm>> -> memref<8192x128xf32, #tpu.memory_space<hbm>>
    %dma_start3A_69 = tpu.memref_slice %arg8[%dma_start3A_59] : memref<10x!tpu.dma_semaphore, #tpu.memory_space<semaphore_mem>> -> memref<1x!tpu.dma_semaphore, #tpu.memory_space<semaphore_mem>>
    %dma_start3A_70 = tpu.memref_squeeze %dma_start3A_69 : memref<1x!tpu.dma_semaphore, #tpu.memory_space<semaphore_mem>> -> memref<!tpu.dma_semaphore, #tpu.memory_space<semaphore_mem>>
    tpu.enqueue_indirect_dma source(%dma_start3A_68 : memref<8192x128xf32, #tpu.memory_space<hbm>>) target(%dma_start3A_63 : memref<40x128xf32, #tpu.memory_space<vmem>>) offsets(%dma_start3A_65 : memref<40xi32, #tpu.memory_space<vmem>>) semaphore(%dma_start3A_70 : memref<!tpu.dma_semaphore, #tpu.memory_space<semaphore_mem>>)
    %dma_start3A_71 = arith.constant 4 : i32
    %dma_start3A_72 = arith.constant 4 : i32
    %dma_start3A_73 = arith.constant 0 : i32
    %dma_start3A_74 = arith.constant 0 : i32
    %dma_start3A_75 = tpu.memref_slice %arg6[%dma_start3A_71, %dma_start3A_73, %dma_start3A_74] : memref<10x40x128xf32, #tpu.memory_space<vmem>> -> memref<1x40x128xf32, #tpu.memory_space<vmem>>
    %dma_start3A_76 = tpu.memref_squeeze %dma_start3A_75 : memref<1x40x128xf32, #tpu.memory_space<vmem>> -> memref<40x128xf32, #tpu.memory_space<vmem>>
    %dma_start3A_77 = arith.constant 160 : i32
    %dma_start3A_78 = tpu.memref_slice %arg5[%dma_start3A_77] : memref<6400xi32, #tpu.memory_space<vmem>> -> memref<40xi32, #tpu.memory_space<vmem>>
    %dma_start3A_79 = arith.constant 0 : i32
    %dma_start3A_80 = arith.constant 0 : i32
    %dma_start3A_81 = tpu.memref_slice %arg2[%dma_start3A_79, %dma_start3A_80] : memref<8192x128xf32, #tpu.memory_space<hbm>> -> memref<8192x128xf32, #tpu.memory_space<hbm>>
    %dma_start3A_82 = tpu.memref_slice %arg8[%dma_start3A_72] : memref<10x!tpu.dma_semaphore, #tpu.memory_space<semaphore_mem>> -> memref<1x!tpu.dma_semaphore, #tpu.memory_space<semaphore_mem>>
    %dma_start3A_83 = tpu.memref_squeeze %dma_start3A_82 : memref<1x!tpu.dma_semaphore, #tpu.memory_space<semaphore_mem>> -> memref<!tpu.dma_semaphore, #tpu.memory_space<semaphore_mem>>
    tpu.enqueue_indirect_dma source(%dma_start3A_81 : memref<8192x128xf32, #tpu.memory_space<hbm>>) target(%dma_start3A_76 : memref<40x128xf32, #tpu.memory_space<vmem>>) offsets(%dma_start3A_78 : memref<40xi32, #tpu.memory_space<vmem>>) semaphore(%dma_start3A_83 : memref<!tpu.dma_semaphore, #tpu.memory_space<semaphore_mem>>)
    %dma_start3A_84 = arith.constant 5 : i32
    %dma_start3A_85 = arith.constant 5 : i32
    %dma_start3A_86 = arith.constant 0 : i32
    %dma_start3A_87 = arith.constant 0 : i32
    %dma_start3A_88 = tpu.memref_slice %arg6[%dma_start3A_84, %dma_start3A_86, %dma_start3A_87] : memref<10x40x128xf32, #tpu.memory_space<vmem>> -> memref<1x40x128xf32, #tpu.memory_space<vmem>>
    %dma_start3A_89 = tpu.memref_squeeze %dma_start3A_88 : memref<1x40x128xf32, #tpu.memory_space<vmem>> -> memref<40x128xf32, #tpu.memory_space<vmem>>
    %dma_start3A_90 = arith.constant 200 : i32
    %dma_start3A_91 = tpu.memref_slice %arg5[%dma_start3A_90] : memref<6400xi32, #tpu.memory_space<vmem>> -> memref<40xi32, #tpu.memory_space<vmem>>
    %dma_start3A_92 = arith.constant 0 : i32
    %dma_start3A_93 = arith.constant 0 : i32
    %dma_start3A_94 = tpu.memref_slice %arg2[%dma_start3A_92, %dma_start3A_93] : memref<8192x128xf32, #tpu.memory_space<hbm>> -> memref<8192x128xf32, #tpu.memory_space<hbm>>
    %dma_start3A_95 = tpu.memref_slice %arg8[%dma_start3A_85] : memref<10x!tpu.dma_semaphore, #tpu.memory_space<semaphore_mem>> -> memref<1x!tpu.dma_semaphore, #tpu.memory_space<semaphore_mem>>
    %dma_start3A_96 = tpu.memref_squeeze %dma_start3A_95 : memref<1x!tpu.dma_semaphore, #tpu.memory_space<semaphore_mem>> -> memref<!tpu.dma_semaphore, #tpu.memory_space<semaphore_mem>>
    tpu.enqueue_indirect_dma source(%dma_start3A_94 : memref<8192x128xf32, #tpu.memory_space<hbm>>) target(%dma_start3A_89 : memref<40x128xf32, #tpu.memory_space<vmem>>) offsets(%dma_start3A_91 : memref<40xi32, #tpu.memory_space<vmem>>) semaphore(%dma_start3A_96 : memref<!tpu.dma_semaphore, #tpu.memory_space<semaphore_mem>>)
    %dma_start3A_97 = arith.constant 6 : i32
    %dma_start3A_98 = arith.constant 6 : i32
    %dma_start3A_99 = arith.constant 0 : i32
    %dma_start3A_100 = arith.constant 0 : i32
    %dma_start3A_101 = tpu.memref_slice %arg6[%dma_start3A_97, %dma_start3A_99, %dma_start3A_100] : memref<10x40x128xf32, #tpu.memory_space<vmem>> -> memref<1x40x128xf32, #tpu.memory_space<vmem>>
    %dma_start3A_102 = tpu.memref_squeeze %dma_start3A_101 : memref<1x40x128xf32, #tpu.memory_space<vmem>> -> memref<40x128xf32, #tpu.memory_space<vmem>>
    %dma_start3A_103 = arith.constant 240 : i32
    %dma_start3A_104 = tpu.memref_slice %arg5[%dma_start3A_103] : memref<6400xi32, #tpu.memory_space<vmem>> -> memref<40xi32, #tpu.memory_space<vmem>>
    %dma_start3A_105 = arith.constant 0 : i32
    %dma_start3A_106 = arith.constant 0 : i32
    %dma_start3A_107 = tpu.memref_slice %arg2[%dma_start3A_105, %dma_start3A_106] : memref<8192x128xf32, #tpu.memory_space<hbm>> -> memref<8192x128xf32, #tpu.memory_space<hbm>>
    %dma_start3A_108 = tpu.memref_slice %arg8[%dma_start3A_98] : memref<10x!tpu.dma_semaphore, #tpu.memory_space<semaphore_mem>> -> memref<1x!tpu.dma_semaphore, #tpu.memory_space<semaphore_mem>>
    %dma_start3A_109 = tpu.memref_squeeze %dma_start3A_108 : memref<1x!tpu.dma_semaphore, #tpu.memory_space<semaphore_mem>> -> memref<!tpu.dma_semaphore, #tpu.memory_space<semaphore_mem>>
    tpu.enqueue_indirect_dma source(%dma_start3A_107 : memref<8192x128xf32, #tpu.memory_space<hbm>>) target(%dma_start3A_102 : memref<40x128xf32, #tpu.memory_space<vmem>>) offsets(%dma_start3A_104 : memref<40xi32, #tpu.memory_space<vmem>>) semaphore(%dma_start3A_109 : memref<!tpu.dma_semaphore, #tpu.memory_space<semaphore_mem>>)
    %dma_start3A_110 = arith.constant 7 : i32
    %dma_start3A_111 = arith.constant 7 : i32
    %dma_start3A_112 = arith.constant 0 : i32
    %dma_start3A_113 = arith.constant 0 : i32
    %dma_start3A_114 = tpu.memref_slice %arg6[%dma_start3A_110, %dma_start3A_112, %dma_start3A_113] : memref<10x40x128xf32, #tpu.memory_space<vmem>> -> memref<1x40x128xf32, #tpu.memory_space<vmem>>
    %dma_start3A_115 = tpu.memref_squeeze %dma_start3A_114 : memref<1x40x128xf32, #tpu.memory_space<vmem>> -> memref<40x128xf32, #tpu.memory_space<vmem>>
    %dma_start3A_116 = arith.constant 280 : i32
    %dma_start3A_117 = tpu.memref_slice %arg5[%dma_start3A_116] : memref<6400xi32, #tpu.memory_space<vmem>> -> memref<40xi32, #tpu.memory_space<vmem>>
    %dma_start3A_118 = arith.constant 0 : i32
    %dma_start3A_119 = arith.constant 0 : i32
    %dma_start3A_120 = tpu.memref_slice %arg2[%dma_start3A_118, %dma_start3A_119] : memref<8192x128xf32, #tpu.memory_space<hbm>> -> memref<8192x128xf32, #tpu.memory_space<hbm>>
    %dma_start3A_121 = tpu.memref_slice %arg8[%dma_start3A_111] : memref<10x!tpu.dma_semaphore, #tpu.memory_space<semaphore_mem>> -> memref<1x!tpu.dma_semaphore, #tpu.memory_space<semaphore_mem>>
    %dma_start3A_122 = tpu.memref_squeeze %dma_start3A_121 : memref<1x!tpu.dma_semaphore, #tpu.memory_space<semaphore_mem>> -> memref<!tpu.dma_semaphore, #tpu.memory_space<semaphore_mem>>
    tpu.enqueue_indirect_dma source(%dma_start3A_120 : memref<8192x128xf32, #tpu.memory_space<hbm>>) target(%dma_start3A_115 : memref<40x128xf32, #tpu.memory_space<vmem>>) offsets(%dma_start3A_117 : memref<40xi32, #tpu.memory_space<vmem>>) semaphore(%dma_start3A_122 : memref<!tpu.dma_semaphore, #tpu.memory_space<semaphore_mem>>)
    %dma_start3A_123 = arith.constant 8 : i32
    %dma_start3A_124 = arith.constant 8 : i32
    %dma_start3A_125 = arith.constant 0 : i32
    %dma_start3A_126 = arith.constant 0 : i32
    %dma_start3A_127 = tpu.memref_slice %arg6[%dma_start3A_123, %dma_start3A_125, %dma_start3A_126] : memref<10x40x128xf32, #tpu.memory_space<vmem>> -> memref<1x40x128xf32, #tpu.memory_space<vmem>>
    %dma_start3A_128 = tpu.memref_squeeze %dma_start3A_127 : memref<1x40x128xf32, #tpu.memory_space<vmem>> -> memref<40x128xf32, #tpu.memory_space<vmem>>
    %dma_start3A_129 = arith.constant 320 : i32
    %dma_start3A_130 = tpu.memref_slice %arg5[%dma_start3A_129] : memref<6400xi32, #tpu.memory_space<vmem>> -> memref<40xi32, #tpu.memory_space<vmem>>
    %dma_start3A_131 = arith.constant 0 : i32
    %dma_start3A_132 = arith.constant 0 : i32
    %dma_start3A_133 = tpu.memref_slice %arg2[%dma_start3A_131, %dma_start3A_132] : memref<8192x128xf32, #tpu.memory_space<hbm>> -> memref<8192x128xf32, #tpu.memory_space<hbm>>
    %dma_start3A_134 = tpu.memref_slice %arg8[%dma_start3A_124] : memref<10x!tpu.dma_semaphore, #tpu.memory_space<semaphore_mem>> -> memref<1x!tpu.dma_semaphore, #tpu.memory_space<semaphore_mem>>
    %dma_start3A_135 = tpu.memref_squeeze %dma_start3A_134 : memref<1x!tpu.dma_semaphore, #tpu.memory_space<semaphore_mem>> -> memref<!tpu.dma_semaphore, #tpu.memory_space<semaphore_mem>>
    tpu.enqueue_indirect_dma source(%dma_start3A_133 : memref<8192x128xf32, #tpu.memory_space<hbm>>) target(%dma_start3A_128 : memref<40x128xf32, #tpu.memory_space<vmem>>) offsets(%dma_start3A_130 : memref<40xi32, #tpu.memory_space<vmem>>) semaphore(%dma_start3A_135 : memref<!tpu.dma_semaphore, #tpu.memory_space<semaphore_mem>>)
    %dma_start3A_136 = arith.constant 9 : i32
    %dma_start3A_137 = arith.constant 9 : i32
    %dma_start3A_138 = arith.constant 0 : i32
    %dma_start3A_139 = arith.constant 0 : i32
    %dma_start3A_140 = tpu.memref_slice %arg6[%dma_start3A_136, %dma_start3A_138, %dma_start3A_139] : memref<10x40x128xf32, #tpu.memory_space<vmem>> -> memref<1x40x128xf32, #tpu.memory_space<vmem>>
    %dma_start3A_141 = tpu.memref_squeeze %dma_start3A_140 : memref<1x40x128xf32, #tpu.memory_space<vmem>> -> memref<40x128xf32, #tpu.memory_space<vmem>>
    %dma_start3A_142 = arith.constant 360 : i32
    %dma_start3A_143 = tpu.memref_slice %arg5[%dma_start3A_142] : memref<6400xi32, #tpu.memory_space<vmem>> -> memref<40xi32, #tpu.memory_space<vmem>>
    %dma_start3A_144 = arith.constant 0 : i32
    %dma_start3A_145 = arith.constant 0 : i32
    %dma_start3A_146 = tpu.memref_slice %arg2[%dma_start3A_144, %dma_start3A_145] : memref<8192x128xf32, #tpu.memory_space<hbm>> -> memref<8192x128xf32, #tpu.memory_space<hbm>>
    %dma_start3A_147 = tpu.memref_slice %arg8[%dma_start3A_137] : memref<10x!tpu.dma_semaphore, #tpu.memory_space<semaphore_mem>> -> memref<1x!tpu.dma_semaphore, #tpu.memory_space<semaphore_mem>>
    %dma_start3A_148 = tpu.memref_squeeze %dma_start3A_147 : memref<1x!tpu.dma_semaphore, #tpu.memory_space<semaphore_mem>> -> memref<!tpu.dma_semaphore, #tpu.memory_space<semaphore_mem>>
    tpu.enqueue_indirect_dma source(%dma_start3A_146 : memref<8192x128xf32, #tpu.memory_space<hbm>>) target(%dma_start3A_141 : memref<40x128xf32, #tpu.memory_space<vmem>>) offsets(%dma_start3A_143 : memref<40xi32, #tpu.memory_space<vmem>>) semaphore(%dma_start3A_148 : memref<!tpu.dma_semaphore, #tpu.memory_space<semaphore_mem>>)
    %dma_wait3A_149 = arith.constant 0 : i32
    %dma_wait3A_150 = tpu.memref_slice %arg7[%mul3A_6, %dma_wait3A_149] : memref<8192x128xf32, #tpu.memory_space<vmem_shared>> -> memref<512x128xf32, #tpu.memory_space<vmem_shared>>
    %dma_wait3A_151 = arith.constant 0 : i32
    %dma_wait3A_152 = tpu.memref_slice %arg2[%mul3A_4, %dma_wait3A_151] : memref<8192x128xf32, #tpu.memory_space<hbm>> -> memref<512x128xf32, #tpu.memory_space<hbm>>
    tpu.wait_dma2 semaphore(%arg10 : memref<!tpu.dma_semaphore, #tpu.memory_space<semaphore_mem>>) src(%dma_wait3A_152 : memref<512x128xf32, #tpu.memory_space<hbm>>) dst(%dma_wait3A_150 : memref<512x128xf32, #tpu.memory_space<vmem_shared>>)
    %barrier3A = arith.constant 0 : index
    tpu.barrier barrier_id(%barrier3A)
    %scan3A = arith.constant 0 : i32
    %scan3A_153 = arith.constant 0 : i32
    %scan3A_154 = arith.constant 16 : i32
    %scan3A_155 = arith.addi %scan3A_153, %scan3A_154 : i32
    %scan3A_156 = arith.constant 1 : i32
    scf.for %scan3A_318 = %scan3A_153 to %scan3A_155 step %scan3A_156  : i32 {
      %mul3A_319 = arith.constant 10 : i32
      %mul3A_320 = arith.muli %scan3A_318, %mul3A_319 : i32
      %dma_wait3A_321 = arith.constant 0 : i32
      %dma_wait3A_322 = arith.constant 0 : i32
      %dma_wait3A_323 = arith.constant 0 : i32
      %dma_wait3A_324 = arith.constant 0 : i32
      %dma_wait3A_325 = tpu.memref_slice %arg6[%dma_wait3A_321, %dma_wait3A_323, %dma_wait3A_324] : memref<10x40x128xf32, #tpu.memory_space<vmem>> -> memref<1x40x128xf32, #tpu.memory_space<vmem>>
      %dma_wait3A_326 = tpu.memref_squeeze %dma_wait3A_325 : memref<1x40x128xf32, #tpu.memory_space<vmem>> -> memref<40x128xf32, #tpu.memory_space<vmem>>
      %dma_wait3A_327 = arith.constant 0 : i32
      %dma_wait3A_328 = arith.constant 0 : i32
      %dma_wait3A_329 = tpu.memref_slice %arg2[%dma_wait3A_327, %dma_wait3A_328] : memref<8192x128xf32, #tpu.memory_space<hbm>> -> memref<40x128xf32, #tpu.memory_space<hbm>>
      %dma_wait3A_330 = tpu.memref_slice %arg8[%dma_wait3A_322] : memref<10x!tpu.dma_semaphore, #tpu.memory_space<semaphore_mem>> -> memref<1x!tpu.dma_semaphore, #tpu.memory_space<semaphore_mem>>
      %dma_wait3A_331 = tpu.memref_squeeze %dma_wait3A_330 : memref<1x!tpu.dma_semaphore, #tpu.memory_space<semaphore_mem>> -> memref<!tpu.dma_semaphore, #tpu.memory_space<semaphore_mem>>
      %dma_wait3A_332 = arith.constant 0 : i32
      %dma_wait3A_333 = arith.constant 0 : i32
      %dma_wait3A_334 = tpu.memref_slice %arg6[%dma_wait3A_321, %dma_wait3A_332, %dma_wait3A_333] : memref<10x40x128xf32, #tpu.memory_space<vmem>> -> memref<1x40x128xf32, #tpu.memory_space<vmem>>
      %dma_wait3A_335 = tpu.memref_squeeze %dma_wait3A_334 : memref<1x40x128xf32, #tpu.memory_space<vmem>> -> memref<40x128xf32, #tpu.memory_space<vmem>>
      %dma_wait3A_336 = arith.constant 0 : i32
      %dma_wait3A_337 = arith.constant 0 : i32
      %dma_wait3A_338 = tpu.memref_slice %arg2[%dma_wait3A_336, %dma_wait3A_337] : memref<8192x128xf32, #tpu.memory_space<hbm>> -> memref<40x128xf32, #tpu.memory_space<hbm>>
      tpu.wait_dma2 semaphore(%dma_wait3A_331 : memref<!tpu.dma_semaphore, #tpu.memory_space<semaphore_mem>>) src(%dma_wait3A_338 : memref<40x128xf32, #tpu.memory_space<hbm>>) dst(%dma_wait3A_335 : memref<40x128xf32, #tpu.memory_space<vmem>>)
      %add3A_339 = arith.constant 0 : i32
      %add3A_340 = arith.addi %mul3A_320, %add3A_339 : i32
      %mul3A_341 = arith.constant 40 : i32
      %mul3A_342 = arith.muli %add3A_340, %mul3A_341 : i32
      %add3A_343 = arith.addi %mul3A_2, %mul3A_342 : i32
      %dma_start3A_344 = arith.constant 0 : i32
      %dma_start3A_345 = arith.constant 0 : i32
      %dma_start3A_346 = arith.constant 0 : i32
      %dma_start3A_347 = arith.constant 0 : i32
      %dma_start3A_348 = tpu.memref_slice %arg6[%dma_start3A_344, %dma_start3A_346, %dma_start3A_347] : memref<10x40x128xf32, #tpu.memory_space<vmem>> -> memref<1x40x128xf32, #tpu.memory_space<vmem>>
      %dma_start3A_349 = tpu.memref_squeeze %dma_start3A_348 : memref<1x40x128xf32, #tpu.memory_space<vmem>> -> memref<40x128xf32, #tpu.memory_space<vmem>>
      %dma_start3A_350 = arith.constant 0 : i32
      %dma_start3A_351 = tpu.memref_slice %arg4[%add3A_343, %dma_start3A_350] : memref<204800x128xf32, #tpu.memory_space<hbm>> -> memref<40x128xf32, #tpu.memory_space<hbm>>
      %dma_start3A_352 = tpu.memref_slice %arg9[%dma_start3A_345] : memref<10x!tpu.dma_semaphore, #tpu.memory_space<semaphore_mem>> -> memref<1x!tpu.dma_semaphore, #tpu.memory_space<semaphore_mem>>
      %dma_start3A_353 = tpu.memref_squeeze %dma_start3A_352 : memref<1x!tpu.dma_semaphore, #tpu.memory_space<semaphore_mem>> -> memref<!tpu.dma_semaphore, #tpu.memory_space<semaphore_mem>>
      %dma_start3A_354 = arith.constant 0 : i32
      %dma_start3A_355 = tpu.memref_slice %arg4[%add3A_343, %dma_start3A_354] : memref<204800x128xf32, #tpu.memory_space<hbm>> -> memref<40x128xf32, #tpu.memory_space<hbm>>
      %dma_start3A_356 = arith.constant 0 : i32
      %dma_start3A_357 = arith.constant 0 : i32
      %dma_start3A_358 = tpu.memref_slice %arg6[%dma_start3A_344, %dma_start3A_356, %dma_start3A_357] : memref<10x40x128xf32, #tpu.memory_space<vmem>> -> memref<1x40x128xf32, #tpu.memory_space<vmem>>
      %dma_start3A_359 = tpu.memref_squeeze %dma_start3A_358 : memref<1x40x128xf32, #tpu.memory_space<vmem>> -> memref<40x128xf32, #tpu.memory_space<vmem>>
      tpu.enqueue_dma source(%dma_start3A_359 : memref<40x128xf32, #tpu.memory_space<vmem>>) target(%dma_start3A_355 : memref<40x128xf32, #tpu.memory_space<hbm>>) target_semaphore(%dma_start3A_353 : memref<!tpu.dma_semaphore, #tpu.memory_space<semaphore_mem>>)
      %dma_wait3A_360 = arith.constant 1 : i32
      %dma_wait3A_361 = arith.constant 1 : i32
      %dma_wait3A_362 = arith.constant 0 : i32
      %dma_wait3A_363 = arith.constant 0 : i32
      %dma_wait3A_364 = tpu.memref_slice %arg6[%dma_wait3A_360, %dma_wait3A_362, %dma_wait3A_363] : memref<10x40x128xf32, #tpu.memory_space<vmem>> -> memref<1x40x128xf32, #tpu.memory_space<vmem>>
      %dma_wait3A_365 = tpu.memref_squeeze %dma_wait3A_364 : memref<1x40x128xf32, #tpu.memory_space<vmem>> -> memref<40x128xf32, #tpu.memory_space<vmem>>
      %dma_wait3A_366 = arith.constant 0 : i32
      %dma_wait3A_367 = arith.constant 0 : i32
      %dma_wait3A_368 = tpu.memref_slice %arg2[%dma_wait3A_366, %dma_wait3A_367] : memref<8192x128xf32, #tpu.memory_space<hbm>> -> memref<40x128xf32, #tpu.memory_space<hbm>>
      %dma_wait3A_369 = tpu.memref_slice %arg8[%dma_wait3A_361] : memref<10x!tpu.dma_semaphore, #tpu.memory_space<semaphore_mem>> -> memref<1x!tpu.dma_semaphore, #tpu.memory_space<semaphore_mem>>
      %dma_wait3A_370 = tpu.memref_squeeze %dma_wait3A_369 : memref<1x!tpu.dma_semaphore, #tpu.memory_space<semaphore_mem>> -> memref<!tpu.dma_semaphore, #tpu.memory_space<semaphore_mem>>
      %dma_wait3A_371 = arith.constant 0 : i32
      %dma_wait3A_372 = arith.constant 0 : i32
      %dma_wait3A_373 = tpu.memref_slice %arg6[%dma_wait3A_360, %dma_wait3A_371, %dma_wait3A_372] : memref<10x40x128xf32, #tpu.memory_space<vmem>> -> memref<1x40x128xf32, #tpu.memory_space<vmem>>
      %dma_wait3A_374 = tpu.memref_squeeze %dma_wait3A_373 : memref<1x40x128xf32, #tpu.memory_space<vmem>> -> memref<40x128xf32, #tpu.memory_space<vmem>>
      %dma_wait3A_375 = arith.constant 0 : i32
      %dma_wait3A_376 = arith.constant 0 : i32
      %dma_wait3A_377 = tpu.memref_slice %arg2[%dma_wait3A_375, %dma_wait3A_376] : memref<8192x128xf32, #tpu.memory_space<hbm>> -> memref<40x128xf32, #tpu.memory_space<hbm>>
      tpu.wait_dma2 semaphore(%dma_wait3A_370 : memref<!tpu.dma_semaphore, #tpu.memory_space<semaphore_mem>>) src(%dma_wait3A_377 : memref<40x128xf32, #tpu.memory_space<hbm>>) dst(%dma_wait3A_374 : memref<40x128xf32, #tpu.memory_space<vmem>>)
      %add3A_378 = arith.constant 1 : i32
      %add3A_379 = arith.addi %mul3A_320, %add3A_378 : i32
      %mul3A_380 = arith.constant 40 : i32
      %mul3A_381 = arith.muli %add3A_379, %mul3A_380 : i32
      %add3A_382 = arith.addi %mul3A_2, %mul3A_381 : i32
      %dma_start3A_383 = arith.constant 1 : i32
      %dma_start3A_384 = arith.constant 1 : i32
      %dma_start3A_385 = arith.constant 0 : i32
      %dma_start3A_386 = arith.constant 0 : i32
      %dma_start3A_387 = tpu.memref_slice %arg6[%dma_start3A_383, %dma_start3A_385, %dma_start3A_386] : memref<10x40x128xf32, #tpu.memory_space<vmem>> -> memref<1x40x128xf32, #tpu.memory_space<vmem>>
      %dma_start3A_388 = tpu.memref_squeeze %dma_start3A_387 : memref<1x40x128xf32, #tpu.memory_space<vmem>> -> memref<40x128xf32, #tpu.memory_space<vmem>>
      %dma_start3A_389 = arith.constant 0 : i32
      %dma_start3A_390 = tpu.memref_slice %arg4[%add3A_382, %dma_start3A_389] : memref<204800x128xf32, #tpu.memory_space<hbm>> -> memref<40x128xf32, #tpu.memory_space<hbm>>
      %dma_start3A_391 = tpu.memref_slice %arg9[%dma_start3A_384] : memref<10x!tpu.dma_semaphore, #tpu.memory_space<semaphore_mem>> -> memref<1x!tpu.dma_semaphore, #tpu.memory_space<semaphore_mem>>
      %dma_start3A_392 = tpu.memref_squeeze %dma_start3A_391 : memref<1x!tpu.dma_semaphore, #tpu.memory_space<semaphore_mem>> -> memref<!tpu.dma_semaphore, #tpu.memory_space<semaphore_mem>>
      %dma_start3A_393 = arith.constant 0 : i32
      %dma_start3A_394 = tpu.memref_slice %arg4[%add3A_382, %dma_start3A_393] : memref<204800x128xf32, #tpu.memory_space<hbm>> -> memref<40x128xf32, #tpu.memory_space<hbm>>
      %dma_start3A_395 = arith.constant 0 : i32
      %dma_start3A_396 = arith.constant 0 : i32
      %dma_start3A_397 = tpu.memref_slice %arg6[%dma_start3A_383, %dma_start3A_395, %dma_start3A_396] : memref<10x40x128xf32, #tpu.memory_space<vmem>> -> memref<1x40x128xf32, #tpu.memory_space<vmem>>
      %dma_start3A_398 = tpu.memref_squeeze %dma_start3A_397 : memref<1x40x128xf32, #tpu.memory_space<vmem>> -> memref<40x128xf32, #tpu.memory_space<vmem>>
      tpu.enqueue_dma source(%dma_start3A_398 : memref<40x128xf32, #tpu.memory_space<vmem>>) target(%dma_start3A_394 : memref<40x128xf32, #tpu.memory_space<hbm>>) target_semaphore(%dma_start3A_392 : memref<!tpu.dma_semaphore, #tpu.memory_space<semaphore_mem>>)
      %dma_wait3A_399 = arith.constant 2 : i32
      %dma_wait3A_400 = arith.constant 2 : i32
      %dma_wait3A_401 = arith.constant 0 : i32
      %dma_wait3A_402 = arith.constant 0 : i32
      %dma_wait3A_403 = tpu.memref_slice %arg6[%dma_wait3A_399, %dma_wait3A_401, %dma_wait3A_402] : memref<10x40x128xf32, #tpu.memory_space<vmem>> -> memref<1x40x128xf32, #tpu.memory_space<vmem>>
      %dma_wait3A_404 = tpu.memref_squeeze %dma_wait3A_403 : memref<1x40x128xf32, #tpu.memory_space<vmem>> -> memref<40x128xf32, #tpu.memory_space<vmem>>
      %dma_wait3A_405 = arith.constant 0 : i32
      %dma_wait3A_406 = arith.constant 0 : i32
      %dma_wait3A_407 = tpu.memref_slice %arg2[%dma_wait3A_405, %dma_wait3A_406] : memref<8192x128xf32, #tpu.memory_space<hbm>> -> memref<40x128xf32, #tpu.memory_space<hbm>>
      %dma_wait3A_408 = tpu.memref_slice %arg8[%dma_wait3A_400] : memref<10x!tpu.dma_semaphore, #tpu.memory_space<semaphore_mem>> -> memref<1x!tpu.dma_semaphore, #tpu.memory_space<semaphore_mem>>
      %dma_wait3A_409 = tpu.memref_squeeze %dma_wait3A_408 : memref<1x!tpu.dma_semaphore, #tpu.memory_space<semaphore_mem>> -> memref<!tpu.dma_semaphore, #tpu.memory_space<semaphore_mem>>
      %dma_wait3A_410 = arith.constant 0 : i32
      %dma_wait3A_411 = arith.constant 0 : i32
      %dma_wait3A_412 = tpu.memref_slice %arg6[%dma_wait3A_399, %dma_wait3A_410, %dma_wait3A_411] : memref<10x40x128xf32, #tpu.memory_space<vmem>> -> memref<1x40x128xf32, #tpu.memory_space<vmem>>
      %dma_wait3A_413 = tpu.memref_squeeze %dma_wait3A_412 : memref<1x40x128xf32, #tpu.memory_space<vmem>> -> memref<40x128xf32, #tpu.memory_space<vmem>>
      %dma_wait3A_414 = arith.constant 0 : i32
      %dma_wait3A_415 = arith.constant 0 : i32
      %dma_wait3A_416 = tpu.memref_slice %arg2[%dma_wait3A_414, %dma_wait3A_415] : memref<8192x128xf32, #tpu.memory_space<hbm>> -> memref<40x128xf32, #tpu.memory_space<hbm>>
      tpu.wait_dma2 semaphore(%dma_wait3A_409 : memref<!tpu.dma_semaphore, #tpu.memory_space<semaphore_mem>>) src(%dma_wait3A_416 : memref<40x128xf32, #tpu.memory_space<hbm>>) dst(%dma_wait3A_413 : memref<40x128xf32, #tpu.memory_space<vmem>>)
      %add3A_417 = arith.constant 2 : i32
      %add3A_418 = arith.addi %mul3A_320, %add3A_417 : i32
      %mul3A_419 = arith.constant 40 : i32
      %mul3A_420 = arith.muli %add3A_418, %mul3A_419 : i32
      %add3A_421 = arith.addi %mul3A_2, %mul3A_420 : i32
      %dma_start3A_422 = arith.constant 2 : i32
      %dma_start3A_423 = arith.constant 2 : i32
      %dma_start3A_424 = arith.constant 0 : i32
      %dma_start3A_425 = arith.constant 0 : i32
      %dma_start3A_426 = tpu.memref_slice %arg6[%dma_start3A_422, %dma_start3A_424, %dma_start3A_425] : memref<10x40x128xf32, #tpu.memory_space<vmem>> -> memref<1x40x128xf32, #tpu.memory_space<vmem>>
      %dma_start3A_427 = tpu.memref_squeeze %dma_start3A_426 : memref<1x40x128xf32, #tpu.memory_space<vmem>> -> memref<40x128xf32, #tpu.memory_space<vmem>>
      %dma_start3A_428 = arith.constant 0 : i32
      %dma_start3A_429 = tpu.memref_slice %arg4[%add3A_421, %dma_start3A_428] : memref<204800x128xf32, #tpu.memory_space<hbm>> -> memref<40x128xf32, #tpu.memory_space<hbm>>
      %dma_start3A_430 = tpu.memref_slice %arg9[%dma_start3A_423] : memref<10x!tpu.dma_semaphore, #tpu.memory_space<semaphore_mem>> -> memref<1x!tpu.dma_semaphore, #tpu.memory_space<semaphore_mem>>
      %dma_start3A_431 = tpu.memref_squeeze %dma_start3A_430 : memref<1x!tpu.dma_semaphore, #tpu.memory_space<semaphore_mem>> -> memref<!tpu.dma_semaphore, #tpu.memory_space<semaphore_mem>>
      %dma_start3A_432 = arith.constant 0 : i32
      %dma_start3A_433 = tpu.memref_slice %arg4[%add3A_421, %dma_start3A_432] : memref<204800x128xf32, #tpu.memory_space<hbm>> -> memref<40x128xf32, #tpu.memory_space<hbm>>
      %dma_start3A_434 = arith.constant 0 : i32
      %dma_start3A_435 = arith.constant 0 : i32
      %dma_start3A_436 = tpu.memref_slice %arg6[%dma_start3A_422, %dma_start3A_434, %dma_start3A_435] : memref<10x40x128xf32, #tpu.memory_space<vmem>> -> memref<1x40x128xf32, #tpu.memory_space<vmem>>
      %dma_start3A_437 = tpu.memref_squeeze %dma_start3A_436 : memref<1x40x128xf32, #tpu.memory_space<vmem>> -> memref<40x128xf32, #tpu.memory_space<vmem>>
      tpu.enqueue_dma source(%dma_start3A_437 : memref<40x128xf32, #tpu.memory_space<vmem>>) target(%dma_start3A_433 : memref<40x128xf32, #tpu.memory_space<hbm>>) target_semaphore(%dma_start3A_431 : memref<!tpu.dma_semaphore, #tpu.memory_space<semaphore_mem>>)
      %dma_wait3A_438 = arith.constant 3 : i32
      %dma_wait3A_439 = arith.constant 3 : i32
      %dma_wait3A_440 = arith.constant 0 : i32
      %dma_wait3A_441 = arith.constant 0 : i32
      %dma_wait3A_442 = tpu.memref_slice %arg6[%dma_wait3A_438, %dma_wait3A_440, %dma_wait3A_441] : memref<10x40x128xf32, #tpu.memory_space<vmem>> -> memref<1x40x128xf32, #tpu.memory_space<vmem>>
      %dma_wait3A_443 = tpu.memref_squeeze %dma_wait3A_442 : memref<1x40x128xf32, #tpu.memory_space<vmem>> -> memref<40x128xf32, #tpu.memory_space<vmem>>
      %dma_wait3A_444 = arith.constant 0 : i32
      %dma_wait3A_445 = arith.constant 0 : i32
      %dma_wait3A_446 = tpu.memref_slice %arg2[%dma_wait3A_444, %dma_wait3A_445] : memref<8192x128xf32, #tpu.memory_space<hbm>> -> memref<40x128xf32, #tpu.memory_space<hbm>>
      %dma_wait3A_447 = tpu.memref_slice %arg8[%dma_wait3A_439] : memref<10x!tpu.dma_semaphore, #tpu.memory_space<semaphore_mem>> -> memref<1x!tpu.dma_semaphore, #tpu.memory_space<semaphore_mem>>
      %dma_wait3A_448 = tpu.memref_squeeze %dma_wait3A_447 : memref<1x!tpu.dma_semaphore, #tpu.memory_space<semaphore_mem>> -> memref<!tpu.dma_semaphore, #tpu.memory_space<semaphore_mem>>
      %dma_wait3A_449 = arith.constant 0 : i32
      %dma_wait3A_450 = arith.constant 0 : i32
      %dma_wait3A_451 = tpu.memref_slice %arg6[%dma_wait3A_438, %dma_wait3A_449, %dma_wait3A_450] : memref<10x40x128xf32, #tpu.memory_space<vmem>> -> memref<1x40x128xf32, #tpu.memory_space<vmem>>
      %dma_wait3A_452 = tpu.memref_squeeze %dma_wait3A_451 : memref<1x40x128xf32, #tpu.memory_space<vmem>> -> memref<40x128xf32, #tpu.memory_space<vmem>>
      %dma_wait3A_453 = arith.constant 0 : i32
      %dma_wait3A_454 = arith.constant 0 : i32
      %dma_wait3A_455 = tpu.memref_slice %arg2[%dma_wait3A_453, %dma_wait3A_454] : memref<8192x128xf32, #tpu.memory_space<hbm>> -> memref<40x128xf32, #tpu.memory_space<hbm>>
      tpu.wait_dma2 semaphore(%dma_wait3A_448 : memref<!tpu.dma_semaphore, #tpu.memory_space<semaphore_mem>>) src(%dma_wait3A_455 : memref<40x128xf32, #tpu.memory_space<hbm>>) dst(%dma_wait3A_452 : memref<40x128xf32, #tpu.memory_space<vmem>>)
      %add3A_456 = arith.constant 3 : i32
      %add3A_457 = arith.addi %mul3A_320, %add3A_456 : i32
      %mul3A_458 = arith.constant 40 : i32
      %mul3A_459 = arith.muli %add3A_457, %mul3A_458 : i32
      %add3A_460 = arith.addi %mul3A_2, %mul3A_459 : i32
      %dma_start3A_461 = arith.constant 3 : i32
      %dma_start3A_462 = arith.constant 3 : i32
      %dma_start3A_463 = arith.constant 0 : i32
      %dma_start3A_464 = arith.constant 0 : i32
      %dma_start3A_465 = tpu.memref_slice %arg6[%dma_start3A_461, %dma_start3A_463, %dma_start3A_464] : memref<10x40x128xf32, #tpu.memory_space<vmem>> -> memref<1x40x128xf32, #tpu.memory_space<vmem>>
      %dma_start3A_466 = tpu.memref_squeeze %dma_start3A_465 : memref<1x40x128xf32, #tpu.memory_space<vmem>> -> memref<40x128xf32, #tpu.memory_space<vmem>>
      %dma_start3A_467 = arith.constant 0 : i32
      %dma_start3A_468 = tpu.memref_slice %arg4[%add3A_460, %dma_start3A_467] : memref<204800x128xf32, #tpu.memory_space<hbm>> -> memref<40x128xf32, #tpu.memory_space<hbm>>
      %dma_start3A_469 = tpu.memref_slice %arg9[%dma_start3A_462] : memref<10x!tpu.dma_semaphore, #tpu.memory_space<semaphore_mem>> -> memref<1x!tpu.dma_semaphore, #tpu.memory_space<semaphore_mem>>
      %dma_start3A_470 = tpu.memref_squeeze %dma_start3A_469 : memref<1x!tpu.dma_semaphore, #tpu.memory_space<semaphore_mem>> -> memref<!tpu.dma_semaphore, #tpu.memory_space<semaphore_mem>>
      %dma_start3A_471 = arith.constant 0 : i32
      %dma_start3A_472 = tpu.memref_slice %arg4[%add3A_460, %dma_start3A_471] : memref<204800x128xf32, #tpu.memory_space<hbm>> -> memref<40x128xf32, #tpu.memory_space<hbm>>
      %dma_start3A_473 = arith.constant 0 : i32
      %dma_start3A_474 = arith.constant 0 : i32
      %dma_start3A_475 = tpu.memref_slice %arg6[%dma_start3A_461, %dma_start3A_473, %dma_start3A_474] : memref<10x40x128xf32, #tpu.memory_space<vmem>> -> memref<1x40x128xf32, #tpu.memory_space<vmem>>
      %dma_start3A_476 = tpu.memref_squeeze %dma_start3A_475 : memref<1x40x128xf32, #tpu.memory_space<vmem>> -> memref<40x128xf32, #tpu.memory_space<vmem>>
      tpu.enqueue_dma source(%dma_start3A_476 : memref<40x128xf32, #tpu.memory_space<vmem>>) target(%dma_start3A_472 : memref<40x128xf32, #tpu.memory_space<hbm>>) target_semaphore(%dma_start3A_470 : memref<!tpu.dma_semaphore, #tpu.memory_space<semaphore_mem>>)
      %dma_wait3A_477 = arith.constant 4 : i32
      %dma_wait3A_478 = arith.constant 4 : i32
      %dma_wait3A_479 = arith.constant 0 : i32
      %dma_wait3A_480 = arith.constant 0 : i32
      %dma_wait3A_481 = tpu.memref_slice %arg6[%dma_wait3A_477, %dma_wait3A_479, %dma_wait3A_480] : memref<10x40x128xf32, #tpu.memory_space<vmem>> -> memref<1x40x128xf32, #tpu.memory_space<vmem>>
      %dma_wait3A_482 = tpu.memref_squeeze %dma_wait3A_481 : memref<1x40x128xf32, #tpu.memory_space<vmem>> -> memref<40x128xf32, #tpu.memory_space<vmem>>
      %dma_wait3A_483 = arith.constant 0 : i32
      %dma_wait3A_484 = arith.constant 0 : i32
      %dma_wait3A_485 = tpu.memref_slice %arg2[%dma_wait3A_483, %dma_wait3A_484] : memref<8192x128xf32, #tpu.memory_space<hbm>> -> memref<40x128xf32, #tpu.memory_space<hbm>>
      %dma_wait3A_486 = tpu.memref_slice %arg8[%dma_wait3A_478] : memref<10x!tpu.dma_semaphore, #tpu.memory_space<semaphore_mem>> -> memref<1x!tpu.dma_semaphore, #tpu.memory_space<semaphore_mem>>
      %dma_wait3A_487 = tpu.memref_squeeze %dma_wait3A_486 : memref<1x!tpu.dma_semaphore, #tpu.memory_space<semaphore_mem>> -> memref<!tpu.dma_semaphore, #tpu.memory_space<semaphore_mem>>
      %dma_wait3A_488 = arith.constant 0 : i32
      %dma_wait3A_489 = arith.constant 0 : i32
      %dma_wait3A_490 = tpu.memref_slice %arg6[%dma_wait3A_477, %dma_wait3A_488, %dma_wait3A_489] : memref<10x40x128xf32, #tpu.memory_space<vmem>> -> memref<1x40x128xf32, #tpu.memory_space<vmem>>
      %dma_wait3A_491 = tpu.memref_squeeze %dma_wait3A_490 : memref<1x40x128xf32, #tpu.memory_space<vmem>> -> memref<40x128xf32, #tpu.memory_space<vmem>>
      %dma_wait3A_492 = arith.constant 0 : i32
      %dma_wait3A_493 = arith.constant 0 : i32
      %dma_wait3A_494 = tpu.memref_slice %arg2[%dma_wait3A_492, %dma_wait3A_493] : memref<8192x128xf32, #tpu.memory_space<hbm>> -> memref<40x128xf32, #tpu.memory_space<hbm>>
      tpu.wait_dma2 semaphore(%dma_wait3A_487 : memref<!tpu.dma_semaphore, #tpu.memory_space<semaphore_mem>>) src(%dma_wait3A_494 : memref<40x128xf32, #tpu.memory_space<hbm>>) dst(%dma_wait3A_491 : memref<40x128xf32, #tpu.memory_space<vmem>>)
      %add3A_495 = arith.constant 4 : i32
      %add3A_496 = arith.addi %mul3A_320, %add3A_495 : i32
      %mul3A_497 = arith.constant 40 : i32
      %mul3A_498 = arith.muli %add3A_496, %mul3A_497 : i32
      %add3A_499 = arith.addi %mul3A_2, %mul3A_498 : i32
      %dma_start3A_500 = arith.constant 4 : i32
      %dma_start3A_501 = arith.constant 4 : i32
      %dma_start3A_502 = arith.constant 0 : i32
      %dma_start3A_503 = arith.constant 0 : i32
      %dma_start3A_504 = tpu.memref_slice %arg6[%dma_start3A_500, %dma_start3A_502, %dma_start3A_503] : memref<10x40x128xf32, #tpu.memory_space<vmem>> -> memref<1x40x128xf32, #tpu.memory_space<vmem>>
      %dma_start3A_505 = tpu.memref_squeeze %dma_start3A_504 : memref<1x40x128xf32, #tpu.memory_space<vmem>> -> memref<40x128xf32, #tpu.memory_space<vmem>>
      %dma_start3A_506 = arith.constant 0 : i32
      %dma_start3A_507 = tpu.memref_slice %arg4[%add3A_499, %dma_start3A_506] : memref<204800x128xf32, #tpu.memory_space<hbm>> -> memref<40x128xf32, #tpu.memory_space<hbm>>
      %dma_start3A_508 = tpu.memref_slice %arg9[%dma_start3A_501] : memref<10x!tpu.dma_semaphore, #tpu.memory_space<semaphore_mem>> -> memref<1x!tpu.dma_semaphore, #tpu.memory_space<semaphore_mem>>
      %dma_start3A_509 = tpu.memref_squeeze %dma_start3A_508 : memref<1x!tpu.dma_semaphore, #tpu.memory_space<semaphore_mem>> -> memref<!tpu.dma_semaphore, #tpu.memory_space<semaphore_mem>>
      %dma_start3A_510 = arith.constant 0 : i32
      %dma_start3A_511 = tpu.memref_slice %arg4[%add3A_499, %dma_start3A_510] : memref<204800x128xf32, #tpu.memory_space<hbm>> -> memref<40x128xf32, #tpu.memory_space<hbm>>
      %dma_start3A_512 = arith.constant 0 : i32
      %dma_start3A_513 = arith.constant 0 : i32
      %dma_start3A_514 = tpu.memref_slice %arg6[%dma_start3A_500, %dma_start3A_512, %dma_start3A_513] : memref<10x40x128xf32, #tpu.memory_space<vmem>> -> memref<1x40x128xf32, #tpu.memory_space<vmem>>
      %dma_start3A_515 = tpu.memref_squeeze %dma_start3A_514 : memref<1x40x128xf32, #tpu.memory_space<vmem>> -> memref<40x128xf32, #tpu.memory_space<vmem>>
      tpu.enqueue_dma source(%dma_start3A_515 : memref<40x128xf32, #tpu.memory_space<vmem>>) target(%dma_start3A_511 : memref<40x128xf32, #tpu.memory_space<hbm>>) target_semaphore(%dma_start3A_509 : memref<!tpu.dma_semaphore, #tpu.memory_space<semaphore_mem>>)
      %dma_wait3A_516 = arith.constant 5 : i32
      %dma_wait3A_517 = arith.constant 5 : i32
      %dma_wait3A_518 = arith.constant 0 : i32
      %dma_wait3A_519 = arith.constant 0 : i32
      %dma_wait3A_520 = tpu.memref_slice %arg6[%dma_wait3A_516, %dma_wait3A_518, %dma_wait3A_519] : memref<10x40x128xf32, #tpu.memory_space<vmem>> -> memref<1x40x128xf32, #tpu.memory_space<vmem>>
      %dma_wait3A_521 = tpu.memref_squeeze %dma_wait3A_520 : memref<1x40x128xf32, #tpu.memory_space<vmem>> -> memref<40x128xf32, #tpu.memory_space<vmem>>
      %dma_wait3A_522 = arith.constant 0 : i32
      %dma_wait3A_523 = arith.constant 0 : i32
      %dma_wait3A_524 = tpu.memref_slice %arg2[%dma_wait3A_522, %dma_wait3A_523] : memref<8192x128xf32, #tpu.memory_space<hbm>> -> memref<40x128xf32, #tpu.memory_space<hbm>>
      %dma_wait3A_525 = tpu.memref_slice %arg8[%dma_wait3A_517] : memref<10x!tpu.dma_semaphore, #tpu.memory_space<semaphore_mem>> -> memref<1x!tpu.dma_semaphore, #tpu.memory_space<semaphore_mem>>
      %dma_wait3A_526 = tpu.memref_squeeze %dma_wait3A_525 : memref<1x!tpu.dma_semaphore, #tpu.memory_space<semaphore_mem>> -> memref<!tpu.dma_semaphore, #tpu.memory_space<semaphore_mem>>
      %dma_wait3A_527 = arith.constant 0 : i32
      %dma_wait3A_528 = arith.constant 0 : i32
      %dma_wait3A_529 = tpu.memref_slice %arg6[%dma_wait3A_516, %dma_wait3A_527, %dma_wait3A_528] : memref<10x40x128xf32, #tpu.memory_space<vmem>> -> memref<1x40x128xf32, #tpu.memory_space<vmem>>
      %dma_wait3A_530 = tpu.memref_squeeze %dma_wait3A_529 : memref<1x40x128xf32, #tpu.memory_space<vmem>> -> memref<40x128xf32, #tpu.memory_space<vmem>>
      %dma_wait3A_531 = arith.constant 0 : i32
      %dma_wait3A_532 = arith.constant 0 : i32
      %dma_wait3A_533 = tpu.memref_slice %arg2[%dma_wait3A_531, %dma_wait3A_532] : memref<8192x128xf32, #tpu.memory_space<hbm>> -> memref<40x128xf32, #tpu.memory_space<hbm>>
      tpu.wait_dma2 semaphore(%dma_wait3A_526 : memref<!tpu.dma_semaphore, #tpu.memory_space<semaphore_mem>>) src(%dma_wait3A_533 : memref<40x128xf32, #tpu.memory_space<hbm>>) dst(%dma_wait3A_530 : memref<40x128xf32, #tpu.memory_space<vmem>>)
      %add3A_534 = arith.constant 5 : i32
      %add3A_535 = arith.addi %mul3A_320, %add3A_534 : i32
      %mul3A_536 = arith.constant 40 : i32
      %mul3A_537 = arith.muli %add3A_535, %mul3A_536 : i32
      %add3A_538 = arith.addi %mul3A_2, %mul3A_537 : i32
      %dma_start3A_539 = arith.constant 5 : i32
      %dma_start3A_540 = arith.constant 5 : i32
      %dma_start3A_541 = arith.constant 0 : i32
      %dma_start3A_542 = arith.constant 0 : i32
      %dma_start3A_543 = tpu.memref_slice %arg6[%dma_start3A_539, %dma_start3A_541, %dma_start3A_542] : memref<10x40x128xf32, #tpu.memory_space<vmem>> -> memref<1x40x128xf32, #tpu.memory_space<vmem>>
      %dma_start3A_544 = tpu.memref_squeeze %dma_start3A_543 : memref<1x40x128xf32, #tpu.memory_space<vmem>> -> memref<40x128xf32, #tpu.memory_space<vmem>>
      %dma_start3A_545 = arith.constant 0 : i32
      %dma_start3A_546 = tpu.memref_slice %arg4[%add3A_538, %dma_start3A_545] : memref<204800x128xf32, #tpu.memory_space<hbm>> -> memref<40x128xf32, #tpu.memory_space<hbm>>
      %dma_start3A_547 = tpu.memref_slice %arg9[%dma_start3A_540] : memref<10x!tpu.dma_semaphore, #tpu.memory_space<semaphore_mem>> -> memref<1x!tpu.dma_semaphore, #tpu.memory_space<semaphore_mem>>
      %dma_start3A_548 = tpu.memref_squeeze %dma_start3A_547 : memref<1x!tpu.dma_semaphore, #tpu.memory_space<semaphore_mem>> -> memref<!tpu.dma_semaphore, #tpu.memory_space<semaphore_mem>>
      %dma_start3A_549 = arith.constant 0 : i32
      %dma_start3A_550 = tpu.memref_slice %arg4[%add3A_538, %dma_start3A_549] : memref<204800x128xf32, #tpu.memory_space<hbm>> -> memref<40x128xf32, #tpu.memory_space<hbm>>
      %dma_start3A_551 = arith.constant 0 : i32
      %dma_start3A_552 = arith.constant 0 : i32
      %dma_start3A_553 = tpu.memref_slice %arg6[%dma_start3A_539, %dma_start3A_551, %dma_start3A_552] : memref<10x40x128xf32, #tpu.memory_space<vmem>> -> memref<1x40x128xf32, #tpu.memory_space<vmem>>
      %dma_start3A_554 = tpu.memref_squeeze %dma_start3A_553 : memref<1x40x128xf32, #tpu.memory_space<vmem>> -> memref<40x128xf32, #tpu.memory_space<vmem>>
      tpu.enqueue_dma source(%dma_start3A_554 : memref<40x128xf32, #tpu.memory_space<vmem>>) target(%dma_start3A_550 : memref<40x128xf32, #tpu.memory_space<hbm>>) target_semaphore(%dma_start3A_548 : memref<!tpu.dma_semaphore, #tpu.memory_space<semaphore_mem>>)
      %dma_wait3A_555 = arith.constant 6 : i32
      %dma_wait3A_556 = arith.constant 6 : i32
      %dma_wait3A_557 = arith.constant 0 : i32
      %dma_wait3A_558 = arith.constant 0 : i32
      %dma_wait3A_559 = tpu.memref_slice %arg6[%dma_wait3A_555, %dma_wait3A_557, %dma_wait3A_558] : memref<10x40x128xf32, #tpu.memory_space<vmem>> -> memref<1x40x128xf32, #tpu.memory_space<vmem>>
      %dma_wait3A_560 = tpu.memref_squeeze %dma_wait3A_559 : memref<1x40x128xf32, #tpu.memory_space<vmem>> -> memref<40x128xf32, #tpu.memory_space<vmem>>
      %dma_wait3A_561 = arith.constant 0 : i32
      %dma_wait3A_562 = arith.constant 0 : i32
      %dma_wait3A_563 = tpu.memref_slice %arg2[%dma_wait3A_561, %dma_wait3A_562] : memref<8192x128xf32, #tpu.memory_space<hbm>> -> memref<40x128xf32, #tpu.memory_space<hbm>>
      %dma_wait3A_564 = tpu.memref_slice %arg8[%dma_wait3A_556] : memref<10x!tpu.dma_semaphore, #tpu.memory_space<semaphore_mem>> -> memref<1x!tpu.dma_semaphore, #tpu.memory_space<semaphore_mem>>
      %dma_wait3A_565 = tpu.memref_squeeze %dma_wait3A_564 : memref<1x!tpu.dma_semaphore, #tpu.memory_space<semaphore_mem>> -> memref<!tpu.dma_semaphore, #tpu.memory_space<semaphore_mem>>
      %dma_wait3A_566 = arith.constant 0 : i32
      %dma_wait3A_567 = arith.constant 0 : i32
      %dma_wait3A_568 = tpu.memref_slice %arg6[%dma_wait3A_555, %dma_wait3A_566, %dma_wait3A_567] : memref<10x40x128xf32, #tpu.memory_space<vmem>> -> memref<1x40x128xf32, #tpu.memory_space<vmem>>
      %dma_wait3A_569 = tpu.memref_squeeze %dma_wait3A_568 : memref<1x40x128xf32, #tpu.memory_space<vmem>> -> memref<40x128xf32, #tpu.memory_space<vmem>>
      %dma_wait3A_570 = arith.constant 0 : i32
      %dma_wait3A_571 = arith.constant 0 : i32
      %dma_wait3A_572 = tpu.memref_slice %arg2[%dma_wait3A_570, %dma_wait3A_571] : memref<8192x128xf32, #tpu.memory_space<hbm>> -> memref<40x128xf32, #tpu.memory_space<hbm>>
      tpu.wait_dma2 semaphore(%dma_wait3A_565 : memref<!tpu.dma_semaphore, #tpu.memory_space<semaphore_mem>>) src(%dma_wait3A_572 : memref<40x128xf32, #tpu.memory_space<hbm>>) dst(%dma_wait3A_569 : memref<40x128xf32, #tpu.memory_space<vmem>>)
      %add3A_573 = arith.constant 6 : i32
      %add3A_574 = arith.addi %mul3A_320, %add3A_573 : i32
      %mul3A_575 = arith.constant 40 : i32
      %mul3A_576 = arith.muli %add3A_574, %mul3A_575 : i32
      %add3A_577 = arith.addi %mul3A_2, %mul3A_576 : i32
      %dma_start3A_578 = arith.constant 6 : i32
      %dma_start3A_579 = arith.constant 6 : i32
      %dma_start3A_580 = arith.constant 0 : i32
      %dma_start3A_581 = arith.constant 0 : i32
      %dma_start3A_582 = tpu.memref_slice %arg6[%dma_start3A_578, %dma_start3A_580, %dma_start3A_581] : memref<10x40x128xf32, #tpu.memory_space<vmem>> -> memref<1x40x128xf32, #tpu.memory_space<vmem>>
      %dma_start3A_583 = tpu.memref_squeeze %dma_start3A_582 : memref<1x40x128xf32, #tpu.memory_space<vmem>> -> memref<40x128xf32, #tpu.memory_space<vmem>>
      %dma_start3A_584 = arith.constant 0 : i32
      %dma_start3A_585 = tpu.memref_slice %arg4[%add3A_577, %dma_start3A_584] : memref<204800x128xf32, #tpu.memory_space<hbm>> -> memref<40x128xf32, #tpu.memory_space<hbm>>
      %dma_start3A_586 = tpu.memref_slice %arg9[%dma_start3A_579] : memref<10x!tpu.dma_semaphore, #tpu.memory_space<semaphore_mem>> -> memref<1x!tpu.dma_semaphore, #tpu.memory_space<semaphore_mem>>
      %dma_start3A_587 = tpu.memref_squeeze %dma_start3A_586 : memref<1x!tpu.dma_semaphore, #tpu.memory_space<semaphore_mem>> -> memref<!tpu.dma_semaphore, #tpu.memory_space<semaphore_mem>>
      %dma_start3A_588 = arith.constant 0 : i32
      %dma_start3A_589 = tpu.memref_slice %arg4[%add3A_577, %dma_start3A_588] : memref<204800x128xf32, #tpu.memory_space<hbm>> -> memref<40x128xf32, #tpu.memory_space<hbm>>
      %dma_start3A_590 = arith.constant 0 : i32
      %dma_start3A_591 = arith.constant 0 : i32
      %dma_start3A_592 = tpu.memref_slice %arg6[%dma_start3A_578, %dma_start3A_590, %dma_start3A_591] : memref<10x40x128xf32, #tpu.memory_space<vmem>> -> memref<1x40x128xf32, #tpu.memory_space<vmem>>
      %dma_start3A_593 = tpu.memref_squeeze %dma_start3A_592 : memref<1x40x128xf32, #tpu.memory_space<vmem>> -> memref<40x128xf32, #tpu.memory_space<vmem>>
      tpu.enqueue_dma source(%dma_start3A_593 : memref<40x128xf32, #tpu.memory_space<vmem>>) target(%dma_start3A_589 : memref<40x128xf32, #tpu.memory_space<hbm>>) target_semaphore(%dma_start3A_587 : memref<!tpu.dma_semaphore, #tpu.memory_space<semaphore_mem>>)
      %dma_wait3A_594 = arith.constant 7 : i32
      %dma_wait3A_595 = arith.constant 7 : i32
      %dma_wait3A_596 = arith.constant 0 : i32
      %dma_wait3A_597 = arith.constant 0 : i32
      %dma_wait3A_598 = tpu.memref_slice %arg6[%dma_wait3A_594, %dma_wait3A_596, %dma_wait3A_597] : memref<10x40x128xf32, #tpu.memory_space<vmem>> -> memref<1x40x128xf32, #tpu.memory_space<vmem>>
      %dma_wait3A_599 = tpu.memref_squeeze %dma_wait3A_598 : memref<1x40x128xf32, #tpu.memory_space<vmem>> -> memref<40x128xf32, #tpu.memory_space<vmem>>
      %dma_wait3A_600 = arith.constant 0 : i32
      %dma_wait3A_601 = arith.constant 0 : i32
      %dma_wait3A_602 = tpu.memref_slice %arg2[%dma_wait3A_600, %dma_wait3A_601] : memref<8192x128xf32, #tpu.memory_space<hbm>> -> memref<40x128xf32, #tpu.memory_space<hbm>>
      %dma_wait3A_603 = tpu.memref_slice %arg8[%dma_wait3A_595] : memref<10x!tpu.dma_semaphore, #tpu.memory_space<semaphore_mem>> -> memref<1x!tpu.dma_semaphore, #tpu.memory_space<semaphore_mem>>
      %dma_wait3A_604 = tpu.memref_squeeze %dma_wait3A_603 : memref<1x!tpu.dma_semaphore, #tpu.memory_space<semaphore_mem>> -> memref<!tpu.dma_semaphore, #tpu.memory_space<semaphore_mem>>
      %dma_wait3A_605 = arith.constant 0 : i32
      %dma_wait3A_606 = arith.constant 0 : i32
      %dma_wait3A_607 = tpu.memref_slice %arg6[%dma_wait3A_594, %dma_wait3A_605, %dma_wait3A_606] : memref<10x40x128xf32, #tpu.memory_space<vmem>> -> memref<1x40x128xf32, #tpu.memory_space<vmem>>
      %dma_wait3A_608 = tpu.memref_squeeze %dma_wait3A_607 : memref<1x40x128xf32, #tpu.memory_space<vmem>> -> memref<40x128xf32, #tpu.memory_space<vmem>>
      %dma_wait3A_609 = arith.constant 0 : i32
      %dma_wait3A_610 = arith.constant 0 : i32
      %dma_wait3A_611 = tpu.memref_slice %arg2[%dma_wait3A_609, %dma_wait3A_610] : memref<8192x128xf32, #tpu.memory_space<hbm>> -> memref<40x128xf32, #tpu.memory_space<hbm>>
      tpu.wait_dma2 semaphore(%dma_wait3A_604 : memref<!tpu.dma_semaphore, #tpu.memory_space<semaphore_mem>>) src(%dma_wait3A_611 : memref<40x128xf32, #tpu.memory_space<hbm>>) dst(%dma_wait3A_608 : memref<40x128xf32, #tpu.memory_space<vmem>>)
      %add3A_612 = arith.constant 7 : i32
      %add3A_613 = arith.addi %mul3A_320, %add3A_612 : i32
      %mul3A_614 = arith.constant 40 : i32
      %mul3A_615 = arith.muli %add3A_613, %mul3A_614 : i32
      %add3A_616 = arith.addi %mul3A_2, %mul3A_615 : i32
      %dma_start3A_617 = arith.constant 7 : i32
      %dma_start3A_618 = arith.constant 7 : i32
      %dma_start3A_619 = arith.constant 0 : i32
      %dma_start3A_620 = arith.constant 0 : i32
      %dma_start3A_621 = tpu.memref_slice %arg6[%dma_start3A_617, %dma_start3A_619, %dma_start3A_620] : memref<10x40x128xf32, #tpu.memory_space<vmem>> -> memref<1x40x128xf32, #tpu.memory_space<vmem>>
      %dma_start3A_622 = tpu.memref_squeeze %dma_start3A_621 : memref<1x40x128xf32, #tpu.memory_space<vmem>> -> memref<40x128xf32, #tpu.memory_space<vmem>>
      %dma_start3A_623 = arith.constant 0 : i32
      %dma_start3A_624 = tpu.memref_slice %arg4[%add3A_616, %dma_start3A_623] : memref<204800x128xf32, #tpu.memory_space<hbm>> -> memref<40x128xf32, #tpu.memory_space<hbm>>
      %dma_start3A_625 = tpu.memref_slice %arg9[%dma_start3A_618] : memref<10x!tpu.dma_semaphore, #tpu.memory_space<semaphore_mem>> -> memref<1x!tpu.dma_semaphore, #tpu.memory_space<semaphore_mem>>
      %dma_start3A_626 = tpu.memref_squeeze %dma_start3A_625 : memref<1x!tpu.dma_semaphore, #tpu.memory_space<semaphore_mem>> -> memref<!tpu.dma_semaphore, #tpu.memory_space<semaphore_mem>>
      %dma_start3A_627 = arith.constant 0 : i32
      %dma_start3A_628 = tpu.memref_slice %arg4[%add3A_616, %dma_start3A_627] : memref<204800x128xf32, #tpu.memory_space<hbm>> -> memref<40x128xf32, #tpu.memory_space<hbm>>
      %dma_start3A_629 = arith.constant 0 : i32
      %dma_start3A_630 = arith.constant 0 : i32
      %dma_start3A_631 = tpu.memref_slice %arg6[%dma_start3A_617, %dma_start3A_629, %dma_start3A_630] : memref<10x40x128xf32, #tpu.memory_space<vmem>> -> memref<1x40x128xf32, #tpu.memory_space<vmem>>
      %dma_start3A_632 = tpu.memref_squeeze %dma_start3A_631 : memref<1x40x128xf32, #tpu.memory_space<vmem>> -> memref<40x128xf32, #tpu.memory_space<vmem>>
      tpu.enqueue_dma source(%dma_start3A_632 : memref<40x128xf32, #tpu.memory_space<vmem>>) target(%dma_start3A_628 : memref<40x128xf32, #tpu.memory_space<hbm>>) target_semaphore(%dma_start3A_626 : memref<!tpu.dma_semaphore, #tpu.memory_space<semaphore_mem>>)
      %dma_wait3A_633 = arith.constant 8 : i32
      %dma_wait3A_634 = arith.constant 8 : i32
      %dma_wait3A_635 = arith.constant 0 : i32
      %dma_wait3A_636 = arith.constant 0 : i32
      %dma_wait3A_637 = tpu.memref_slice %arg6[%dma_wait3A_633, %dma_wait3A_635, %dma_wait3A_636] : memref<10x40x128xf32, #tpu.memory_space<vmem>> -> memref<1x40x128xf32, #tpu.memory_space<vmem>>
      %dma_wait3A_638 = tpu.memref_squeeze %dma_wait3A_637 : memref<1x40x128xf32, #tpu.memory_space<vmem>> -> memref<40x128xf32, #tpu.memory_space<vmem>>
      %dma_wait3A_639 = arith.constant 0 : i32
      %dma_wait3A_640 = arith.constant 0 : i32
      %dma_wait3A_641 = tpu.memref_slice %arg2[%dma_wait3A_639, %dma_wait3A_640] : memref<8192x128xf32, #tpu.memory_space<hbm>> -> memref<40x128xf32, #tpu.memory_space<hbm>>
      %dma_wait3A_642 = tpu.memref_slice %arg8[%dma_wait3A_634] : memref<10x!tpu.dma_semaphore, #tpu.memory_space<semaphore_mem>> -> memref<1x!tpu.dma_semaphore, #tpu.memory_space<semaphore_mem>>
      %dma_wait3A_643 = tpu.memref_squeeze %dma_wait3A_642 : memref<1x!tpu.dma_semaphore, #tpu.memory_space<semaphore_mem>> -> memref<!tpu.dma_semaphore, #tpu.memory_space<semaphore_mem>>
      %dma_wait3A_644 = arith.constant 0 : i32
      %dma_wait3A_645 = arith.constant 0 : i32
      %dma_wait3A_646 = tpu.memref_slice %arg6[%dma_wait3A_633, %dma_wait3A_644, %dma_wait3A_645] : memref<10x40x128xf32, #tpu.memory_space<vmem>> -> memref<1x40x128xf32, #tpu.memory_space<vmem>>
      %dma_wait3A_647 = tpu.memref_squeeze %dma_wait3A_646 : memref<1x40x128xf32, #tpu.memory_space<vmem>> -> memref<40x128xf32, #tpu.memory_space<vmem>>
      %dma_wait3A_648 = arith.constant 0 : i32
      %dma_wait3A_649 = arith.constant 0 : i32
      %dma_wait3A_650 = tpu.memref_slice %arg2[%dma_wait3A_648, %dma_wait3A_649] : memref<8192x128xf32, #tpu.memory_space<hbm>> -> memref<40x128xf32, #tpu.memory_space<hbm>>
      tpu.wait_dma2 semaphore(%dma_wait3A_643 : memref<!tpu.dma_semaphore, #tpu.memory_space<semaphore_mem>>) src(%dma_wait3A_650 : memref<40x128xf32, #tpu.memory_space<hbm>>) dst(%dma_wait3A_647 : memref<40x128xf32, #tpu.memory_space<vmem>>)
      %add3A_651 = arith.constant 8 : i32
      %add3A_652 = arith.addi %mul3A_320, %add3A_651 : i32
      %mul3A_653 = arith.constant 40 : i32
      %mul3A_654 = arith.muli %add3A_652, %mul3A_653 : i32
      %add3A_655 = arith.addi %mul3A_2, %mul3A_654 : i32
      %dma_start3A_656 = arith.constant 8 : i32
      %dma_start3A_657 = arith.constant 8 : i32
      %dma_start3A_658 = arith.constant 0 : i32
      %dma_start3A_659 = arith.constant 0 : i32
      %dma_start3A_660 = tpu.memref_slice %arg6[%dma_start3A_656, %dma_start3A_658, %dma_start3A_659] : memref<10x40x128xf32, #tpu.memory_space<vmem>> -> memref<1x40x128xf32, #tpu.memory_space<vmem>>
      %dma_start3A_661 = tpu.memref_squeeze %dma_start3A_660 : memref<1x40x128xf32, #tpu.memory_space<vmem>> -> memref<40x128xf32, #tpu.memory_space<vmem>>
      %dma_start3A_662 = arith.constant 0 : i32
      %dma_start3A_663 = tpu.memref_slice %arg4[%add3A_655, %dma_start3A_662] : memref<204800x128xf32, #tpu.memory_space<hbm>> -> memref<40x128xf32, #tpu.memory_space<hbm>>
      %dma_start3A_664 = tpu.memref_slice %arg9[%dma_start3A_657] : memref<10x!tpu.dma_semaphore, #tpu.memory_space<semaphore_mem>> -> memref<1x!tpu.dma_semaphore, #tpu.memory_space<semaphore_mem>>
      %dma_start3A_665 = tpu.memref_squeeze %dma_start3A_664 : memref<1x!tpu.dma_semaphore, #tpu.memory_space<semaphore_mem>> -> memref<!tpu.dma_semaphore, #tpu.memory_space<semaphore_mem>>
      %dma_start3A_666 = arith.constant 0 : i32
      %dma_start3A_667 = tpu.memref_slice %arg4[%add3A_655, %dma_start3A_666] : memref<204800x128xf32, #tpu.memory_space<hbm>> -> memref<40x128xf32, #tpu.memory_space<hbm>>
      %dma_start3A_668 = arith.constant 0 : i32
      %dma_start3A_669 = arith.constant 0 : i32
      %dma_start3A_670 = tpu.memref_slice %arg6[%dma_start3A_656, %dma_start3A_668, %dma_start3A_669] : memref<10x40x128xf32, #tpu.memory_space<vmem>> -> memref<1x40x128xf32, #tpu.memory_space<vmem>>
      %dma_start3A_671 = tpu.memref_squeeze %dma_start3A_670 : memref<1x40x128xf32, #tpu.memory_space<vmem>> -> memref<40x128xf32, #tpu.memory_space<vmem>>
      tpu.enqueue_dma source(%dma_start3A_671 : memref<40x128xf32, #tpu.memory_space<vmem>>) target(%dma_start3A_667 : memref<40x128xf32, #tpu.memory_space<hbm>>) target_semaphore(%dma_start3A_665 : memref<!tpu.dma_semaphore, #tpu.memory_space<semaphore_mem>>)
      %dma_wait3A_672 = arith.constant 9 : i32
      %dma_wait3A_673 = arith.constant 9 : i32
      %dma_wait3A_674 = arith.constant 0 : i32
      %dma_wait3A_675 = arith.constant 0 : i32
      %dma_wait3A_676 = tpu.memref_slice %arg6[%dma_wait3A_672, %dma_wait3A_674, %dma_wait3A_675] : memref<10x40x128xf32, #tpu.memory_space<vmem>> -> memref<1x40x128xf32, #tpu.memory_space<vmem>>
      %dma_wait3A_677 = tpu.memref_squeeze %dma_wait3A_676 : memref<1x40x128xf32, #tpu.memory_space<vmem>> -> memref<40x128xf32, #tpu.memory_space<vmem>>
      %dma_wait3A_678 = arith.constant 0 : i32
      %dma_wait3A_679 = arith.constant 0 : i32
      %dma_wait3A_680 = tpu.memref_slice %arg2[%dma_wait3A_678, %dma_wait3A_679] : memref<8192x128xf32, #tpu.memory_space<hbm>> -> memref<40x128xf32, #tpu.memory_space<hbm>>
      %dma_wait3A_681 = tpu.memref_slice %arg8[%dma_wait3A_673] : memref<10x!tpu.dma_semaphore, #tpu.memory_space<semaphore_mem>> -> memref<1x!tpu.dma_semaphore, #tpu.memory_space<semaphore_mem>>
      %dma_wait3A_682 = tpu.memref_squeeze %dma_wait3A_681 : memref<1x!tpu.dma_semaphore, #tpu.memory_space<semaphore_mem>> -> memref<!tpu.dma_semaphore, #tpu.memory_space<semaphore_mem>>
      %dma_wait3A_683 = arith.constant 0 : i32
      %dma_wait3A_684 = arith.constant 0 : i32
      %dma_wait3A_685 = tpu.memref_slice %arg6[%dma_wait3A_672, %dma_wait3A_683, %dma_wait3A_684] : memref<10x40x128xf32, #tpu.memory_space<vmem>> -> memref<1x40x128xf32, #tpu.memory_space<vmem>>
      %dma_wait3A_686 = tpu.memref_squeeze %dma_wait3A_685 : memref<1x40x128xf32, #tpu.memory_space<vmem>> -> memref<40x128xf32, #tpu.memory_space<vmem>>
      %dma_wait3A_687 = arith.constant 0 : i32
      %dma_wait3A_688 = arith.constant 0 : i32
      %dma_wait3A_689 = tpu.memref_slice %arg2[%dma_wait3A_687, %dma_wait3A_688] : memref<8192x128xf32, #tpu.memory_space<hbm>> -> memref<40x128xf32, #tpu.memory_space<hbm>>
      tpu.wait_dma2 semaphore(%dma_wait3A_682 : memref<!tpu.dma_semaphore, #tpu.memory_space<semaphore_mem>>) src(%dma_wait3A_689 : memref<40x128xf32, #tpu.memory_space<hbm>>) dst(%dma_wait3A_686 : memref<40x128xf32, #tpu.memory_space<vmem>>)
      %add3A_690 = arith.constant 9 : i32
      %add3A_691 = arith.addi %mul3A_320, %add3A_690 : i32
      %mul3A_692 = arith.constant 40 : i32
      %mul3A_693 = arith.muli %add3A_691, %mul3A_692 : i32
      %add3A_694 = arith.addi %mul3A_2, %mul3A_693 : i32
      %dma_start3A_695 = arith.constant 9 : i32
      %dma_start3A_696 = arith.constant 9 : i32
      %dma_start3A_697 = arith.constant 0 : i32
      %dma_start3A_698 = arith.constant 0 : i32
      %dma_start3A_699 = tpu.memref_slice %arg6[%dma_start3A_695, %dma_start3A_697, %dma_start3A_698] : memref<10x40x128xf32, #tpu.memory_space<vmem>> -> memref<1x40x128xf32, #tpu.memory_space<vmem>>
      %dma_start3A_700 = tpu.memref_squeeze %dma_start3A_699 : memref<1x40x128xf32, #tpu.memory_space<vmem>> -> memref<40x128xf32, #tpu.memory_space<vmem>>
      %dma_start3A_701 = arith.constant 0 : i32
      %dma_start3A_702 = tpu.memref_slice %arg4[%add3A_694, %dma_start3A_701] : memref<204800x128xf32, #tpu.memory_space<hbm>> -> memref<40x128xf32, #tpu.memory_space<hbm>>
      %dma_start3A_703 = tpu.memref_slice %arg9[%dma_start3A_696] : memref<10x!tpu.dma_semaphore, #tpu.memory_space<semaphore_mem>> -> memref<1x!tpu.dma_semaphore, #tpu.memory_space<semaphore_mem>>
      %dma_start3A_704 = tpu.memref_squeeze %dma_start3A_703 : memref<1x!tpu.dma_semaphore, #tpu.memory_space<semaphore_mem>> -> memref<!tpu.dma_semaphore, #tpu.memory_space<semaphore_mem>>
      %dma_start3A_705 = arith.constant 0 : i32
      %dma_start3A_706 = tpu.memref_slice %arg4[%add3A_694, %dma_start3A_705] : memref<204800x128xf32, #tpu.memory_space<hbm>> -> memref<40x128xf32, #tpu.memory_space<hbm>>
      %dma_start3A_707 = arith.constant 0 : i32
      %dma_start3A_708 = arith.constant 0 : i32
      %dma_start3A_709 = tpu.memref_slice %arg6[%dma_start3A_695, %dma_start3A_707, %dma_start3A_708] : memref<10x40x128xf32, #tpu.memory_space<vmem>> -> memref<1x40x128xf32, #tpu.memory_space<vmem>>
      %dma_start3A_710 = tpu.memref_squeeze %dma_start3A_709 : memref<1x40x128xf32, #tpu.memory_space<vmem>> -> memref<40x128xf32, #tpu.memory_space<vmem>>
      tpu.enqueue_dma source(%dma_start3A_710 : memref<40x128xf32, #tpu.memory_space<vmem>>) target(%dma_start3A_706 : memref<40x128xf32, #tpu.memory_space<hbm>>) target_semaphore(%dma_start3A_704 : memref<!tpu.dma_semaphore, #tpu.memory_space<semaphore_mem>>)
      %lt3A = arith.constant 15 : i32
      %lt3A_711 = arith.cmpi slt, %scan3A_318, %lt3A : i32
      %convert_element_type3A = arith.extui %lt3A_711 : i1 to i32
      %cond3A = arith.constant 0 : i32
      %cond3A_712 = arith.cmpi ne, %convert_element_type3A, %cond3A : i32
      scf.if %cond3A_712 {
        %dma_wait3A_713 = arith.constant 0 : i32
        %dma_wait3A_714 = arith.constant 0 : i32
        %dma_wait3A_715 = arith.constant 0 : i32
        %dma_wait3A_716 = arith.constant 0 : i32
        %dma_wait3A_717 = tpu.memref_slice %arg6[%dma_wait3A_713, %dma_wait3A_715, %dma_wait3A_716] : memref<10x40x128xf32, #tpu.memory_space<vmem>> -> memref<1x40x128xf32, #tpu.memory_space<vmem>>
        %dma_wait3A_718 = tpu.memref_squeeze %dma_wait3A_717 : memref<1x40x128xf32, #tpu.memory_space<vmem>> -> memref<40x128xf32, #tpu.memory_space<vmem>>
        %dma_wait3A_719 = arith.constant 0 : i32
        %dma_wait3A_720 = tpu.memref_slice %arg4[%mul3A_2, %dma_wait3A_719] : memref<204800x128xf32, #tpu.memory_space<hbm>> -> memref<40x128xf32, #tpu.memory_space<hbm>>
        %dma_wait3A_721 = tpu.memref_slice %arg9[%dma_wait3A_714] : memref<10x!tpu.dma_semaphore, #tpu.memory_space<semaphore_mem>> -> memref<1x!tpu.dma_semaphore, #tpu.memory_space<semaphore_mem>>
        %dma_wait3A_722 = tpu.memref_squeeze %dma_wait3A_721 : memref<1x!tpu.dma_semaphore, #tpu.memory_space<semaphore_mem>> -> memref<!tpu.dma_semaphore, #tpu.memory_space<semaphore_mem>>
        %dma_wait3A_723 = arith.constant 0 : i32
        %dma_wait3A_724 = tpu.memref_slice %arg4[%mul3A_2, %dma_wait3A_723] : memref<204800x128xf32, #tpu.memory_space<hbm>> -> memref<40x128xf32, #tpu.memory_space<hbm>>
        %dma_wait3A_725 = arith.constant 0 : i32
        %dma_wait3A_726 = arith.constant 0 : i32
        %dma_wait3A_727 = tpu.memref_slice %arg6[%dma_wait3A_713, %dma_wait3A_725, %dma_wait3A_726] : memref<10x40x128xf32, #tpu.memory_space<vmem>> -> memref<1x40x128xf32, #tpu.memory_space<vmem>>
        %dma_wait3A_728 = tpu.memref_squeeze %dma_wait3A_727 : memref<1x40x128xf32, #tpu.memory_space<vmem>> -> memref<40x128xf32, #tpu.memory_space<vmem>>
        tpu.wait_dma2 semaphore(%dma_wait3A_722 : memref<!tpu.dma_semaphore, #tpu.memory_space<semaphore_mem>>) src(%dma_wait3A_728 : memref<40x128xf32, #tpu.memory_space<vmem>>) dst(%dma_wait3A_724 : memref<40x128xf32, #tpu.memory_space<hbm>>)
        %add3A_729 = arith.constant 10 : i32
        %add3A_730 = arith.addi %mul3A_320, %add3A_729 : i32
        %add3A_731 = arith.constant 0 : i32
        %add3A_732 = arith.addi %add3A_730, %add3A_731 : i32
        %mul3A_733 = arith.constant 40 : i32
        %mul3A_734 = arith.muli %add3A_732, %mul3A_733 : i32
        %dma_start3A_735 = arith.constant 0 : i32
        %dma_start3A_736 = arith.constant 0 : i32
        %dma_start3A_737 = arith.constant 0 : i32
        %dma_start3A_738 = arith.constant 0 : i32
        %dma_start3A_739 = tpu.memref_slice %arg6[%dma_start3A_735, %dma_start3A_737, %dma_start3A_738] : memref<10x40x128xf32, #tpu.memory_space<vmem>> -> memref<1x40x128xf32, #tpu.memory_space<vmem>>
        %dma_start3A_740 = tpu.memref_squeeze %dma_start3A_739 : memref<1x40x128xf32, #tpu.memory_space<vmem>> -> memref<40x128xf32, #tpu.memory_space<vmem>>
        %dma_start3A_741 = tpu.memref_slice %arg5[%mul3A_734] : memref<6400xi32, #tpu.memory_space<vmem>> -> memref<40xi32, #tpu.memory_space<vmem>>
        %dma_start3A_742 = arith.constant 0 : i32
        %dma_start3A_743 = arith.constant 0 : i32
        %dma_start3A_744 = tpu.memref_slice %arg7[%dma_start3A_742, %dma_start3A_743] : memref<8192x128xf32, #tpu.memory_space<vmem_shared>> -> memref<8192x128xf32, #tpu.memory_space<vmem_shared>>
        %dma_start3A_745 = tpu.memref_slice %arg8[%dma_start3A_736] : memref<10x!tpu.dma_semaphore, #tpu.memory_space<semaphore_mem>> -> memref<1x!tpu.dma_semaphore, #tpu.memory_space<semaphore_mem>>
        %dma_start3A_746 = tpu.memref_squeeze %dma_start3A_745 : memref<1x!tpu.dma_semaphore, #tpu.memory_space<semaphore_mem>> -> memref<!tpu.dma_semaphore, #tpu.memory_space<semaphore_mem>>
        tpu.enqueue_indirect_dma source(%dma_start3A_744 : memref<8192x128xf32, #tpu.memory_space<vmem_shared>>) target(%dma_start3A_740 : memref<40x128xf32, #tpu.memory_space<vmem>>) offsets(%dma_start3A_741 : memref<40xi32, #tpu.memory_space<vmem>>) semaphore(%dma_start3A_746 : memref<!tpu.dma_semaphore, #tpu.memory_space<semaphore_mem>>)
        %dma_wait3A_747 = arith.constant 1 : i32
        %dma_wait3A_748 = arith.constant 1 : i32
        %dma_wait3A_749 = arith.constant 0 : i32
        %dma_wait3A_750 = arith.constant 0 : i32
        %dma_wait3A_751 = tpu.memref_slice %arg6[%dma_wait3A_747, %dma_wait3A_749, %dma_wait3A_750] : memref<10x40x128xf32, #tpu.memory_space<vmem>> -> memref<1x40x128xf32, #tpu.memory_space<vmem>>
        %dma_wait3A_752 = tpu.memref_squeeze %dma_wait3A_751 : memref<1x40x128xf32, #tpu.memory_space<vmem>> -> memref<40x128xf32, #tpu.memory_space<vmem>>
        %dma_wait3A_753 = arith.constant 0 : i32
        %dma_wait3A_754 = tpu.memref_slice %arg4[%mul3A_2, %dma_wait3A_753] : memref<204800x128xf32, #tpu.memory_space<hbm>> -> memref<40x128xf32, #tpu.memory_space<hbm>>
        %dma_wait3A_755 = tpu.memref_slice %arg9[%dma_wait3A_748] : memref<10x!tpu.dma_semaphore, #tpu.memory_space<semaphore_mem>> -> memref<1x!tpu.dma_semaphore, #tpu.memory_space<semaphore_mem>>
        %dma_wait3A_756 = tpu.memref_squeeze %dma_wait3A_755 : memref<1x!tpu.dma_semaphore, #tpu.memory_space<semaphore_mem>> -> memref<!tpu.dma_semaphore, #tpu.memory_space<semaphore_mem>>
        %dma_wait3A_757 = arith.constant 0 : i32
        %dma_wait3A_758 = tpu.memref_slice %arg4[%mul3A_2, %dma_wait3A_757] : memref<204800x128xf32, #tpu.memory_space<hbm>> -> memref<40x128xf32, #tpu.memory_space<hbm>>
        %dma_wait3A_759 = arith.constant 0 : i32
        %dma_wait3A_760 = arith.constant 0 : i32
        %dma_wait3A_761 = tpu.memref_slice %arg6[%dma_wait3A_747, %dma_wait3A_759, %dma_wait3A_760] : memref<10x40x128xf32, #tpu.memory_space<vmem>> -> memref<1x40x128xf32, #tpu.memory_space<vmem>>
        %dma_wait3A_762 = tpu.memref_squeeze %dma_wait3A_761 : memref<1x40x128xf32, #tpu.memory_space<vmem>> -> memref<40x128xf32, #tpu.memory_space<vmem>>
        tpu.wait_dma2 semaphore(%dma_wait3A_756 : memref<!tpu.dma_semaphore, #tpu.memory_space<semaphore_mem>>) src(%dma_wait3A_762 : memref<40x128xf32, #tpu.memory_space<vmem>>) dst(%dma_wait3A_758 : memref<40x128xf32, #tpu.memory_space<hbm>>)
        %add3A_763 = arith.constant 10 : i32
        %add3A_764 = arith.addi %mul3A_320, %add3A_763 : i32
        %add3A_765 = arith.constant 1 : i32
        %add3A_766 = arith.addi %add3A_764, %add3A_765 : i32
        %mul3A_767 = arith.constant 40 : i32
        %mul3A_768 = arith.muli %add3A_766, %mul3A_767 : i32
        %dma_start3A_769 = arith.constant 1 : i32
        %dma_start3A_770 = arith.constant 1 : i32
        %dma_start3A_771 = arith.constant 0 : i32
        %dma_start3A_772 = arith.constant 0 : i32
        %dma_start3A_773 = tpu.memref_slice %arg6[%dma_start3A_769, %dma_start3A_771, %dma_start3A_772] : memref<10x40x128xf32, #tpu.memory_space<vmem>> -> memref<1x40x128xf32, #tpu.memory_space<vmem>>
        %dma_start3A_774 = tpu.memref_squeeze %dma_start3A_773 : memref<1x40x128xf32, #tpu.memory_space<vmem>> -> memref<40x128xf32, #tpu.memory_space<vmem>>
        %dma_start3A_775 = tpu.memref_slice %arg5[%mul3A_768] : memref<6400xi32, #tpu.memory_space<vmem>> -> memref<40xi32, #tpu.memory_space<vmem>>
        %dma_start3A_776 = arith.constant 0 : i32
        %dma_start3A_777 = arith.constant 0 : i32
        %dma_start3A_778 = tpu.memref_slice %arg7[%dma_start3A_776, %dma_start3A_777] : memref<8192x128xf32, #tpu.memory_space<vmem_shared>> -> memref<8192x128xf32, #tpu.memory_space<vmem_shared>>
        %dma_start3A_779 = tpu.memref_slice %arg8[%dma_start3A_770] : memref<10x!tpu.dma_semaphore, #tpu.memory_space<semaphore_mem>> -> memref<1x!tpu.dma_semaphore, #tpu.memory_space<semaphore_mem>>
        %dma_start3A_780 = tpu.memref_squeeze %dma_start3A_779 : memref<1x!tpu.dma_semaphore, #tpu.memory_space<semaphore_mem>> -> memref<!tpu.dma_semaphore, #tpu.memory_space<semaphore_mem>>
        tpu.enqueue_indirect_dma source(%dma_start3A_778 : memref<8192x128xf32, #tpu.memory_space<vmem_shared>>) target(%dma_start3A_774 : memref<40x128xf32, #tpu.memory_space<vmem>>) offsets(%dma_start3A_775 : memref<40xi32, #tpu.memory_space<vmem>>) semaphore(%dma_start3A_780 : memref<!tpu.dma_semaphore, #tpu.memory_space<semaphore_mem>>)
        %dma_wait3A_781 = arith.constant 2 : i32
        %dma_wait3A_782 = arith.constant 2 : i32
        %dma_wait3A_783 = arith.constant 0 : i32
        %dma_wait3A_784 = arith.constant 0 : i32
        %dma_wait3A_785 = tpu.memref_slice %arg6[%dma_wait3A_781, %dma_wait3A_783, %dma_wait3A_784] : memref<10x40x128xf32, #tpu.memory_space<vmem>> -> memref<1x40x128xf32, #tpu.memory_space<vmem>>
        %dma_wait3A_786 = tpu.memref_squeeze %dma_wait3A_785 : memref<1x40x128xf32, #tpu.memory_space<vmem>> -> memref<40x128xf32, #tpu.memory_space<vmem>>
        %dma_wait3A_787 = arith.constant 0 : i32
        %dma_wait3A_788 = tpu.memref_slice %arg4[%mul3A_2, %dma_wait3A_787] : memref<204800x128xf32, #tpu.memory_space<hbm>> -> memref<40x128xf32, #tpu.memory_space<hbm>>
        %dma_wait3A_789 = tpu.memref_slice %arg9[%dma_wait3A_782] : memref<10x!tpu.dma_semaphore, #tpu.memory_space<semaphore_mem>> -> memref<1x!tpu.dma_semaphore, #tpu.memory_space<semaphore_mem>>
        %dma_wait3A_790 = tpu.memref_squeeze %dma_wait3A_789 : memref<1x!tpu.dma_semaphore, #tpu.memory_space<semaphore_mem>> -> memref<!tpu.dma_semaphore, #tpu.memory_space<semaphore_mem>>
        %dma_wait3A_791 = arith.constant 0 : i32
        %dma_wait3A_792 = tpu.memref_slice %arg4[%mul3A_2, %dma_wait3A_791] : memref<204800x128xf32, #tpu.memory_space<hbm>> -> memref<40x128xf32, #tpu.memory_space<hbm>>
        %dma_wait3A_793 = arith.constant 0 : i32
        %dma_wait3A_794 = arith.constant 0 : i32
        %dma_wait3A_795 = tpu.memref_slice %arg6[%dma_wait3A_781, %dma_wait3A_793, %dma_wait3A_794] : memref<10x40x128xf32, #tpu.memory_space<vmem>> -> memref<1x40x128xf32, #tpu.memory_space<vmem>>
        %dma_wait3A_796 = tpu.memref_squeeze %dma_wait3A_795 : memref<1x40x128xf32, #tpu.memory_space<vmem>> -> memref<40x128xf32, #tpu.memory_space<vmem>>
        tpu.wait_dma2 semaphore(%dma_wait3A_790 : memref<!tpu.dma_semaphore, #tpu.memory_space<semaphore_mem>>) src(%dma_wait3A_796 : memref<40x128xf32, #tpu.memory_space<vmem>>) dst(%dma_wait3A_792 : memref<40x128xf32, #tpu.memory_space<hbm>>)
        %add3A_797 = arith.constant 10 : i32
        %add3A_798 = arith.addi %mul3A_320, %add3A_797 : i32
        %add3A_799 = arith.constant 2 : i32
        %add3A_800 = arith.addi %add3A_798, %add3A_799 : i32
        %mul3A_801 = arith.constant 40 : i32
        %mul3A_802 = arith.muli %add3A_800, %mul3A_801 : i32
        %dma_start3A_803 = arith.constant 2 : i32
        %dma_start3A_804 = arith.constant 2 : i32
        %dma_start3A_805 = arith.constant 0 : i32
        %dma_start3A_806 = arith.constant 0 : i32
        %dma_start3A_807 = tpu.memref_slice %arg6[%dma_start3A_803, %dma_start3A_805, %dma_start3A_806] : memref<10x40x128xf32, #tpu.memory_space<vmem>> -> memref<1x40x128xf32, #tpu.memory_space<vmem>>
        %dma_start3A_808 = tpu.memref_squeeze %dma_start3A_807 : memref<1x40x128xf32, #tpu.memory_space<vmem>> -> memref<40x128xf32, #tpu.memory_space<vmem>>
        %dma_start3A_809 = tpu.memref_slice %arg5[%mul3A_802] : memref<6400xi32, #tpu.memory_space<vmem>> -> memref<40xi32, #tpu.memory_space<vmem>>
        %dma_start3A_810 = arith.constant 0 : i32
        %dma_start3A_811 = arith.constant 0 : i32
        %dma_start3A_812 = tpu.memref_slice %arg7[%dma_start3A_810, %dma_start3A_811] : memref<8192x128xf32, #tpu.memory_space<vmem_shared>> -> memref<8192x128xf32, #tpu.memory_space<vmem_shared>>
        %dma_start3A_813 = tpu.memref_slice %arg8[%dma_start3A_804] : memref<10x!tpu.dma_semaphore, #tpu.memory_space<semaphore_mem>> -> memref<1x!tpu.dma_semaphore, #tpu.memory_space<semaphore_mem>>
        %dma_start3A_814 = tpu.memref_squeeze %dma_start3A_813 : memref<1x!tpu.dma_semaphore, #tpu.memory_space<semaphore_mem>> -> memref<!tpu.dma_semaphore, #tpu.memory_space<semaphore_mem>>
        tpu.enqueue_indirect_dma source(%dma_start3A_812 : memref<8192x128xf32, #tpu.memory_space<vmem_shared>>) target(%dma_start3A_808 : memref<40x128xf32, #tpu.memory_space<vmem>>) offsets(%dma_start3A_809 : memref<40xi32, #tpu.memory_space<vmem>>) semaphore(%dma_start3A_814 : memref<!tpu.dma_semaphore, #tpu.memory_space<semaphore_mem>>)
        %dma_wait3A_815 = arith.constant 3 : i32
        %dma_wait3A_816 = arith.constant 3 : i32
        %dma_wait3A_817 = arith.constant 0 : i32
        %dma_wait3A_818 = arith.constant 0 : i32
        %dma_wait3A_819 = tpu.memref_slice %arg6[%dma_wait3A_815, %dma_wait3A_817, %dma_wait3A_818] : memref<10x40x128xf32, #tpu.memory_space<vmem>> -> memref<1x40x128xf32, #tpu.memory_space<vmem>>
        %dma_wait3A_820 = tpu.memref_squeeze %dma_wait3A_819 : memref<1x40x128xf32, #tpu.memory_space<vmem>> -> memref<40x128xf32, #tpu.memory_space<vmem>>
        %dma_wait3A_821 = arith.constant 0 : i32
        %dma_wait3A_822 = tpu.memref_slice %arg4[%mul3A_2, %dma_wait3A_821] : memref<204800x128xf32, #tpu.memory_space<hbm>> -> memref<40x128xf32, #tpu.memory_space<hbm>>
        %dma_wait3A_823 = tpu.memref_slice %arg9[%dma_wait3A_816] : memref<10x!tpu.dma_semaphore, #tpu.memory_space<semaphore_mem>> -> memref<1x!tpu.dma_semaphore, #tpu.memory_space<semaphore_mem>>
        %dma_wait3A_824 = tpu.memref_squeeze %dma_wait3A_823 : memref<1x!tpu.dma_semaphore, #tpu.memory_space<semaphore_mem>> -> memref<!tpu.dma_semaphore, #tpu.memory_space<semaphore_mem>>
        %dma_wait3A_825 = arith.constant 0 : i32
        %dma_wait3A_826 = tpu.memref_slice %arg4[%mul3A_2, %dma_wait3A_825] : memref<204800x128xf32, #tpu.memory_space<hbm>> -> memref<40x128xf32, #tpu.memory_space<hbm>>
        %dma_wait3A_827 = arith.constant 0 : i32
        %dma_wait3A_828 = arith.constant 0 : i32
        %dma_wait3A_829 = tpu.memref_slice %arg6[%dma_wait3A_815, %dma_wait3A_827, %dma_wait3A_828] : memref<10x40x128xf32, #tpu.memory_space<vmem>> -> memref<1x40x128xf32, #tpu.memory_space<vmem>>
        %dma_wait3A_830 = tpu.memref_squeeze %dma_wait3A_829 : memref<1x40x128xf32, #tpu.memory_space<vmem>> -> memref<40x128xf32, #tpu.memory_space<vmem>>
        tpu.wait_dma2 semaphore(%dma_wait3A_824 : memref<!tpu.dma_semaphore, #tpu.memory_space<semaphore_mem>>) src(%dma_wait3A_830 : memref<40x128xf32, #tpu.memory_space<vmem>>) dst(%dma_wait3A_826 : memref<40x128xf32, #tpu.memory_space<hbm>>)
        %add3A_831 = arith.constant 10 : i32
        %add3A_832 = arith.addi %mul3A_320, %add3A_831 : i32
        %add3A_833 = arith.constant 3 : i32
        %add3A_834 = arith.addi %add3A_832, %add3A_833 : i32
        %mul3A_835 = arith.constant 40 : i32
        %mul3A_836 = arith.muli %add3A_834, %mul3A_835 : i32
        %dma_start3A_837 = arith.constant 3 : i32
        %dma_start3A_838 = arith.constant 3 : i32
        %dma_start3A_839 = arith.constant 0 : i32
        %dma_start3A_840 = arith.constant 0 : i32
        %dma_start3A_841 = tpu.memref_slice %arg6[%dma_start3A_837, %dma_start3A_839, %dma_start3A_840] : memref<10x40x128xf32, #tpu.memory_space<vmem>> -> memref<1x40x128xf32, #tpu.memory_space<vmem>>
        %dma_start3A_842 = tpu.memref_squeeze %dma_start3A_841 : memref<1x40x128xf32, #tpu.memory_space<vmem>> -> memref<40x128xf32, #tpu.memory_space<vmem>>
        %dma_start3A_843 = tpu.memref_slice %arg5[%mul3A_836] : memref<6400xi32, #tpu.memory_space<vmem>> -> memref<40xi32, #tpu.memory_space<vmem>>
        %dma_start3A_844 = arith.constant 0 : i32
        %dma_start3A_845 = arith.constant 0 : i32
        %dma_start3A_846 = tpu.memref_slice %arg7[%dma_start3A_844, %dma_start3A_845] : memref<8192x128xf32, #tpu.memory_space<vmem_shared>> -> memref<8192x128xf32, #tpu.memory_space<vmem_shared>>
        %dma_start3A_847 = tpu.memref_slice %arg8[%dma_start3A_838] : memref<10x!tpu.dma_semaphore, #tpu.memory_space<semaphore_mem>> -> memref<1x!tpu.dma_semaphore, #tpu.memory_space<semaphore_mem>>
        %dma_start3A_848 = tpu.memref_squeeze %dma_start3A_847 : memref<1x!tpu.dma_semaphore, #tpu.memory_space<semaphore_mem>> -> memref<!tpu.dma_semaphore, #tpu.memory_space<semaphore_mem>>
        tpu.enqueue_indirect_dma source(%dma_start3A_846 : memref<8192x128xf32, #tpu.memory_space<vmem_shared>>) target(%dma_start3A_842 : memref<40x128xf32, #tpu.memory_space<vmem>>) offsets(%dma_start3A_843 : memref<40xi32, #tpu.memory_space<vmem>>) semaphore(%dma_start3A_848 : memref<!tpu.dma_semaphore, #tpu.memory_space<semaphore_mem>>)
        %dma_wait3A_849 = arith.constant 4 : i32
        %dma_wait3A_850 = arith.constant 4 : i32
        %dma_wait3A_851 = arith.constant 0 : i32
        %dma_wait3A_852 = arith.constant 0 : i32
        %dma_wait3A_853 = tpu.memref_slice %arg6[%dma_wait3A_849, %dma_wait3A_851, %dma_wait3A_852] : memref<10x40x128xf32, #tpu.memory_space<vmem>> -> memref<1x40x128xf32, #tpu.memory_space<vmem>>
        %dma_wait3A_854 = tpu.memref_squeeze %dma_wait3A_853 : memref<1x40x128xf32, #tpu.memory_space<vmem>> -> memref<40x128xf32, #tpu.memory_space<vmem>>
        %dma_wait3A_855 = arith.constant 0 : i32
        %dma_wait3A_856 = tpu.memref_slice %arg4[%mul3A_2, %dma_wait3A_855] : memref<204800x128xf32, #tpu.memory_space<hbm>> -> memref<40x128xf32, #tpu.memory_space<hbm>>
        %dma_wait3A_857 = tpu.memref_slice %arg9[%dma_wait3A_850] : memref<10x!tpu.dma_semaphore, #tpu.memory_space<semaphore_mem>> -> memref<1x!tpu.dma_semaphore, #tpu.memory_space<semaphore_mem>>
        %dma_wait3A_858 = tpu.memref_squeeze %dma_wait3A_857 : memref<1x!tpu.dma_semaphore, #tpu.memory_space<semaphore_mem>> -> memref<!tpu.dma_semaphore, #tpu.memory_space<semaphore_mem>>
        %dma_wait3A_859 = arith.constant 0 : i32
        %dma_wait3A_860 = tpu.memref_slice %arg4[%mul3A_2, %dma_wait3A_859] : memref<204800x128xf32, #tpu.memory_space<hbm>> -> memref<40x128xf32, #tpu.memory_space<hbm>>
        %dma_wait3A_861 = arith.constant 0 : i32
        %dma_wait3A_862 = arith.constant 0 : i32
        %dma_wait3A_863 = tpu.memref_slice %arg6[%dma_wait3A_849, %dma_wait3A_861, %dma_wait3A_862] : memref<10x40x128xf32, #tpu.memory_space<vmem>> -> memref<1x40x128xf32, #tpu.memory_space<vmem>>
        %dma_wait3A_864 = tpu.memref_squeeze %dma_wait3A_863 : memref<1x40x128xf32, #tpu.memory_space<vmem>> -> memref<40x128xf32, #tpu.memory_space<vmem>>
        tpu.wait_dma2 semaphore(%dma_wait3A_858 : memref<!tpu.dma_semaphore, #tpu.memory_space<semaphore_mem>>) src(%dma_wait3A_864 : memref<40x128xf32, #tpu.memory_space<vmem>>) dst(%dma_wait3A_860 : memref<40x128xf32, #tpu.memory_space<hbm>>)
        %add3A_865 = arith.constant 10 : i32
        %add3A_866 = arith.addi %mul3A_320, %add3A_865 : i32
        %add3A_867 = arith.constant 4 : i32
        %add3A_868 = arith.addi %add3A_866, %add3A_867 : i32
        %mul3A_869 = arith.constant 40 : i32
        %mul3A_870 = arith.muli %add3A_868, %mul3A_869 : i32
        %dma_start3A_871 = arith.constant 4 : i32
        %dma_start3A_872 = arith.constant 4 : i32
        %dma_start3A_873 = arith.constant 0 : i32
        %dma_start3A_874 = arith.constant 0 : i32
        %dma_start3A_875 = tpu.memref_slice %arg6[%dma_start3A_871, %dma_start3A_873, %dma_start3A_874] : memref<10x40x128xf32, #tpu.memory_space<vmem>> -> memref<1x40x128xf32, #tpu.memory_space<vmem>>
        %dma_start3A_876 = tpu.memref_squeeze %dma_start3A_875 : memref<1x40x128xf32, #tpu.memory_space<vmem>> -> memref<40x128xf32, #tpu.memory_space<vmem>>
        %dma_start3A_877 = tpu.memref_slice %arg5[%mul3A_870] : memref<6400xi32, #tpu.memory_space<vmem>> -> memref<40xi32, #tpu.memory_space<vmem>>
        %dma_start3A_878 = arith.constant 0 : i32
        %dma_start3A_879 = arith.constant 0 : i32
        %dma_start3A_880 = tpu.memref_slice %arg7[%dma_start3A_878, %dma_start3A_879] : memref<8192x128xf32, #tpu.memory_space<vmem_shared>> -> memref<8192x128xf32, #tpu.memory_space<vmem_shared>>
        %dma_start3A_881 = tpu.memref_slice %arg8[%dma_start3A_872] : memref<10x!tpu.dma_semaphore, #tpu.memory_space<semaphore_mem>> -> memref<1x!tpu.dma_semaphore, #tpu.memory_space<semaphore_mem>>
        %dma_start3A_882 = tpu.memref_squeeze %dma_start3A_881 : memref<1x!tpu.dma_semaphore, #tpu.memory_space<semaphore_mem>> -> memref<!tpu.dma_semaphore, #tpu.memory_space<semaphore_mem>>
        tpu.enqueue_indirect_dma source(%dma_start3A_880 : memref<8192x128xf32, #tpu.memory_space<vmem_shared>>) target(%dma_start3A_876 : memref<40x128xf32, #tpu.memory_space<vmem>>) offsets(%dma_start3A_877 : memref<40xi32, #tpu.memory_space<vmem>>) semaphore(%dma_start3A_882 : memref<!tpu.dma_semaphore, #tpu.memory_space<semaphore_mem>>)
        %dma_wait3A_883 = arith.constant 5 : i32
        %dma_wait3A_884 = arith.constant 5 : i32
        %dma_wait3A_885 = arith.constant 0 : i32
        %dma_wait3A_886 = arith.constant 0 : i32
        %dma_wait3A_887 = tpu.memref_slice %arg6[%dma_wait3A_883, %dma_wait3A_885, %dma_wait3A_886] : memref<10x40x128xf32, #tpu.memory_space<vmem>> -> memref<1x40x128xf32, #tpu.memory_space<vmem>>
        %dma_wait3A_888 = tpu.memref_squeeze %dma_wait3A_887 : memref<1x40x128xf32, #tpu.memory_space<vmem>> -> memref<40x128xf32, #tpu.memory_space<vmem>>
        %dma_wait3A_889 = arith.constant 0 : i32
        %dma_wait3A_890 = tpu.memref_slice %arg4[%mul3A_2, %dma_wait3A_889] : memref<204800x128xf32, #tpu.memory_space<hbm>> -> memref<40x128xf32, #tpu.memory_space<hbm>>
        %dma_wait3A_891 = tpu.memref_slice %arg9[%dma_wait3A_884] : memref<10x!tpu.dma_semaphore, #tpu.memory_space<semaphore_mem>> -> memref<1x!tpu.dma_semaphore, #tpu.memory_space<semaphore_mem>>
        %dma_wait3A_892 = tpu.memref_squeeze %dma_wait3A_891 : memref<1x!tpu.dma_semaphore, #tpu.memory_space<semaphore_mem>> -> memref<!tpu.dma_semaphore, #tpu.memory_space<semaphore_mem>>
        %dma_wait3A_893 = arith.constant 0 : i32
        %dma_wait3A_894 = tpu.memref_slice %arg4[%mul3A_2, %dma_wait3A_893] : memref<204800x128xf32, #tpu.memory_space<hbm>> -> memref<40x128xf32, #tpu.memory_space<hbm>>
        %dma_wait3A_895 = arith.constant 0 : i32
        %dma_wait3A_896 = arith.constant 0 : i32
        %dma_wait3A_897 = tpu.memref_slice %arg6[%dma_wait3A_883, %dma_wait3A_895, %dma_wait3A_896] : memref<10x40x128xf32, #tpu.memory_space<vmem>> -> memref<1x40x128xf32, #tpu.memory_space<vmem>>
        %dma_wait3A_898 = tpu.memref_squeeze %dma_wait3A_897 : memref<1x40x128xf32, #tpu.memory_space<vmem>> -> memref<40x128xf32, #tpu.memory_space<vmem>>
        tpu.wait_dma2 semaphore(%dma_wait3A_892 : memref<!tpu.dma_semaphore, #tpu.memory_space<semaphore_mem>>) src(%dma_wait3A_898 : memref<40x128xf32, #tpu.memory_space<vmem>>) dst(%dma_wait3A_894 : memref<40x128xf32, #tpu.memory_space<hbm>>)
        %add3A_899 = arith.constant 10 : i32
        %add3A_900 = arith.addi %mul3A_320, %add3A_899 : i32
        %add3A_901 = arith.constant 5 : i32
        %add3A_902 = arith.addi %add3A_900, %add3A_901 : i32
        %mul3A_903 = arith.constant 40 : i32
        %mul3A_904 = arith.muli %add3A_902, %mul3A_903 : i32
        %dma_start3A_905 = arith.constant 5 : i32
        %dma_start3A_906 = arith.constant 5 : i32
        %dma_start3A_907 = arith.constant 0 : i32
        %dma_start3A_908 = arith.constant 0 : i32
        %dma_start3A_909 = tpu.memref_slice %arg6[%dma_start3A_905, %dma_start3A_907, %dma_start3A_908] : memref<10x40x128xf32, #tpu.memory_space<vmem>> -> memref<1x40x128xf32, #tpu.memory_space<vmem>>
        %dma_start3A_910 = tpu.memref_squeeze %dma_start3A_909 : memref<1x40x128xf32, #tpu.memory_space<vmem>> -> memref<40x128xf32, #tpu.memory_space<vmem>>
        %dma_start3A_911 = tpu.memref_slice %arg5[%mul3A_904] : memref<6400xi32, #tpu.memory_space<vmem>> -> memref<40xi32, #tpu.memory_space<vmem>>
        %dma_start3A_912 = arith.constant 0 : i32
        %dma_start3A_913 = arith.constant 0 : i32
        %dma_start3A_914 = tpu.memref_slice %arg7[%dma_start3A_912, %dma_start3A_913] : memref<8192x128xf32, #tpu.memory_space<vmem_shared>> -> memref<8192x128xf32, #tpu.memory_space<vmem_shared>>
        %dma_start3A_915 = tpu.memref_slice %arg8[%dma_start3A_906] : memref<10x!tpu.dma_semaphore, #tpu.memory_space<semaphore_mem>> -> memref<1x!tpu.dma_semaphore, #tpu.memory_space<semaphore_mem>>
        %dma_start3A_916 = tpu.memref_squeeze %dma_start3A_915 : memref<1x!tpu.dma_semaphore, #tpu.memory_space<semaphore_mem>> -> memref<!tpu.dma_semaphore, #tpu.memory_space<semaphore_mem>>
        tpu.enqueue_indirect_dma source(%dma_start3A_914 : memref<8192x128xf32, #tpu.memory_space<vmem_shared>>) target(%dma_start3A_910 : memref<40x128xf32, #tpu.memory_space<vmem>>) offsets(%dma_start3A_911 : memref<40xi32, #tpu.memory_space<vmem>>) semaphore(%dma_start3A_916 : memref<!tpu.dma_semaphore, #tpu.memory_space<semaphore_mem>>)
        %dma_wait3A_917 = arith.constant 6 : i32
        %dma_wait3A_918 = arith.constant 6 : i32
        %dma_wait3A_919 = arith.constant 0 : i32
        %dma_wait3A_920 = arith.constant 0 : i32
        %dma_wait3A_921 = tpu.memref_slice %arg6[%dma_wait3A_917, %dma_wait3A_919, %dma_wait3A_920] : memref<10x40x128xf32, #tpu.memory_space<vmem>> -> memref<1x40x128xf32, #tpu.memory_space<vmem>>
        %dma_wait3A_922 = tpu.memref_squeeze %dma_wait3A_921 : memref<1x40x128xf32, #tpu.memory_space<vmem>> -> memref<40x128xf32, #tpu.memory_space<vmem>>
        %dma_wait3A_923 = arith.constant 0 : i32
        %dma_wait3A_924 = tpu.memref_slice %arg4[%mul3A_2, %dma_wait3A_923] : memref<204800x128xf32, #tpu.memory_space<hbm>> -> memref<40x128xf32, #tpu.memory_space<hbm>>
        %dma_wait3A_925 = tpu.memref_slice %arg9[%dma_wait3A_918] : memref<10x!tpu.dma_semaphore, #tpu.memory_space<semaphore_mem>> -> memref<1x!tpu.dma_semaphore, #tpu.memory_space<semaphore_mem>>
        %dma_wait3A_926 = tpu.memref_squeeze %dma_wait3A_925 : memref<1x!tpu.dma_semaphore, #tpu.memory_space<semaphore_mem>> -> memref<!tpu.dma_semaphore, #tpu.memory_space<semaphore_mem>>
        %dma_wait3A_927 = arith.constant 0 : i32
        %dma_wait3A_928 = tpu.memref_slice %arg4[%mul3A_2, %dma_wait3A_927] : memref<204800x128xf32, #tpu.memory_space<hbm>> -> memref<40x128xf32, #tpu.memory_space<hbm>>
        %dma_wait3A_929 = arith.constant 0 : i32
        %dma_wait3A_930 = arith.constant 0 : i32
        %dma_wait3A_931 = tpu.memref_slice %arg6[%dma_wait3A_917, %dma_wait3A_929, %dma_wait3A_930] : memref<10x40x128xf32, #tpu.memory_space<vmem>> -> memref<1x40x128xf32, #tpu.memory_space<vmem>>
        %dma_wait3A_932 = tpu.memref_squeeze %dma_wait3A_931 : memref<1x40x128xf32, #tpu.memory_space<vmem>> -> memref<40x128xf32, #tpu.memory_space<vmem>>
        tpu.wait_dma2 semaphore(%dma_wait3A_926 : memref<!tpu.dma_semaphore, #tpu.memory_space<semaphore_mem>>) src(%dma_wait3A_932 : memref<40x128xf32, #tpu.memory_space<vmem>>) dst(%dma_wait3A_928 : memref<40x128xf32, #tpu.memory_space<hbm>>)
        %add3A_933 = arith.constant 10 : i32
        %add3A_934 = arith.addi %mul3A_320, %add3A_933 : i32
        %add3A_935 = arith.constant 6 : i32
        %add3A_936 = arith.addi %add3A_934, %add3A_935 : i32
        %mul3A_937 = arith.constant 40 : i32
        %mul3A_938 = arith.muli %add3A_936, %mul3A_937 : i32
        %dma_start3A_939 = arith.constant 6 : i32
        %dma_start3A_940 = arith.constant 6 : i32
        %dma_start3A_941 = arith.constant 0 : i32
        %dma_start3A_942 = arith.constant 0 : i32
        %dma_start3A_943 = tpu.memref_slice %arg6[%dma_start3A_939, %dma_start3A_941, %dma_start3A_942] : memref<10x40x128xf32, #tpu.memory_space<vmem>> -> memref<1x40x128xf32, #tpu.memory_space<vmem>>
        %dma_start3A_944 = tpu.memref_squeeze %dma_start3A_943 : memref<1x40x128xf32, #tpu.memory_space<vmem>> -> memref<40x128xf32, #tpu.memory_space<vmem>>
        %dma_start3A_945 = tpu.memref_slice %arg5[%mul3A_938] : memref<6400xi32, #tpu.memory_space<vmem>> -> memref<40xi32, #tpu.memory_space<vmem>>
        %dma_start3A_946 = arith.constant 0 : i32
        %dma_start3A_947 = arith.constant 0 : i32
        %dma_start3A_948 = tpu.memref_slice %arg7[%dma_start3A_946, %dma_start3A_947] : memref<8192x128xf32, #tpu.memory_space<vmem_shared>> -> memref<8192x128xf32, #tpu.memory_space<vmem_shared>>
        %dma_start3A_949 = tpu.memref_slice %arg8[%dma_start3A_940] : memref<10x!tpu.dma_semaphore, #tpu.memory_space<semaphore_mem>> -> memref<1x!tpu.dma_semaphore, #tpu.memory_space<semaphore_mem>>
        %dma_start3A_950 = tpu.memref_squeeze %dma_start3A_949 : memref<1x!tpu.dma_semaphore, #tpu.memory_space<semaphore_mem>> -> memref<!tpu.dma_semaphore, #tpu.memory_space<semaphore_mem>>
        tpu.enqueue_indirect_dma source(%dma_start3A_948 : memref<8192x128xf32, #tpu.memory_space<vmem_shared>>) target(%dma_start3A_944 : memref<40x128xf32, #tpu.memory_space<vmem>>) offsets(%dma_start3A_945 : memref<40xi32, #tpu.memory_space<vmem>>) semaphore(%dma_start3A_950 : memref<!tpu.dma_semaphore, #tpu.memory_space<semaphore_mem>>)
        %dma_wait3A_951 = arith.constant 7 : i32
        %dma_wait3A_952 = arith.constant 7 : i32
        %dma_wait3A_953 = arith.constant 0 : i32
        %dma_wait3A_954 = arith.constant 0 : i32
        %dma_wait3A_955 = tpu.memref_slice %arg6[%dma_wait3A_951, %dma_wait3A_953, %dma_wait3A_954] : memref<10x40x128xf32, #tpu.memory_space<vmem>> -> memref<1x40x128xf32, #tpu.memory_space<vmem>>
        %dma_wait3A_956 = tpu.memref_squeeze %dma_wait3A_955 : memref<1x40x128xf32, #tpu.memory_space<vmem>> -> memref<40x128xf32, #tpu.memory_space<vmem>>
        %dma_wait3A_957 = arith.constant 0 : i32
        %dma_wait3A_958 = tpu.memref_slice %arg4[%mul3A_2, %dma_wait3A_957] : memref<204800x128xf32, #tpu.memory_space<hbm>> -> memref<40x128xf32, #tpu.memory_space<hbm>>
        %dma_wait3A_959 = tpu.memref_slice %arg9[%dma_wait3A_952] : memref<10x!tpu.dma_semaphore, #tpu.memory_space<semaphore_mem>> -> memref<1x!tpu.dma_semaphore, #tpu.memory_space<semaphore_mem>>
        %dma_wait3A_960 = tpu.memref_squeeze %dma_wait3A_959 : memref<1x!tpu.dma_semaphore, #tpu.memory_space<semaphore_mem>> -> memref<!tpu.dma_semaphore, #tpu.memory_space<semaphore_mem>>
        %dma_wait3A_961 = arith.constant 0 : i32
        %dma_wait3A_962 = tpu.memref_slice %arg4[%mul3A_2, %dma_wait3A_961] : memref<204800x128xf32, #tpu.memory_space<hbm>> -> memref<40x128xf32, #tpu.memory_space<hbm>>
        %dma_wait3A_963 = arith.constant 0 : i32
        %dma_wait3A_964 = arith.constant 0 : i32
        %dma_wait3A_965 = tpu.memref_slice %arg6[%dma_wait3A_951, %dma_wait3A_963, %dma_wait3A_964] : memref<10x40x128xf32, #tpu.memory_space<vmem>> -> memref<1x40x128xf32, #tpu.memory_space<vmem>>
        %dma_wait3A_966 = tpu.memref_squeeze %dma_wait3A_965 : memref<1x40x128xf32, #tpu.memory_space<vmem>> -> memref<40x128xf32, #tpu.memory_space<vmem>>
        tpu.wait_dma2 semaphore(%dma_wait3A_960 : memref<!tpu.dma_semaphore, #tpu.memory_space<semaphore_mem>>) src(%dma_wait3A_966 : memref<40x128xf32, #tpu.memory_space<vmem>>) dst(%dma_wait3A_962 : memref<40x128xf32, #tpu.memory_space<hbm>>)
        %add3A_967 = arith.constant 10 : i32
        %add3A_968 = arith.addi %mul3A_320, %add3A_967 : i32
        %add3A_969 = arith.constant 7 : i32
        %add3A_970 = arith.addi %add3A_968, %add3A_969 : i32
        %mul3A_971 = arith.constant 40 : i32
        %mul3A_972 = arith.muli %add3A_970, %mul3A_971 : i32
        %dma_start3A_973 = arith.constant 7 : i32
        %dma_start3A_974 = arith.constant 7 : i32
        %dma_start3A_975 = arith.constant 0 : i32
        %dma_start3A_976 = arith.constant 0 : i32
        %dma_start3A_977 = tpu.memref_slice %arg6[%dma_start3A_973, %dma_start3A_975, %dma_start3A_976] : memref<10x40x128xf32, #tpu.memory_space<vmem>> -> memref<1x40x128xf32, #tpu.memory_space<vmem>>
        %dma_start3A_978 = tpu.memref_squeeze %dma_start3A_977 : memref<1x40x128xf32, #tpu.memory_space<vmem>> -> memref<40x128xf32, #tpu.memory_space<vmem>>
        %dma_start3A_979 = tpu.memref_slice %arg5[%mul3A_972] : memref<6400xi32, #tpu.memory_space<vmem>> -> memref<40xi32, #tpu.memory_space<vmem>>
        %dma_start3A_980 = arith.constant 0 : i32
        %dma_start3A_981 = arith.constant 0 : i32
        %dma_start3A_982 = tpu.memref_slice %arg7[%dma_start3A_980, %dma_start3A_981] : memref<8192x128xf32, #tpu.memory_space<vmem_shared>> -> memref<8192x128xf32, #tpu.memory_space<vmem_shared>>
        %dma_start3A_983 = tpu.memref_slice %arg8[%dma_start3A_974] : memref<10x!tpu.dma_semaphore, #tpu.memory_space<semaphore_mem>> -> memref<1x!tpu.dma_semaphore, #tpu.memory_space<semaphore_mem>>
        %dma_start3A_984 = tpu.memref_squeeze %dma_start3A_983 : memref<1x!tpu.dma_semaphore, #tpu.memory_space<semaphore_mem>> -> memref<!tpu.dma_semaphore, #tpu.memory_space<semaphore_mem>>
        tpu.enqueue_indirect_dma source(%dma_start3A_982 : memref<8192x128xf32, #tpu.memory_space<vmem_shared>>) target(%dma_start3A_978 : memref<40x128xf32, #tpu.memory_space<vmem>>) offsets(%dma_start3A_979 : memref<40xi32, #tpu.memory_space<vmem>>) semaphore(%dma_start3A_984 : memref<!tpu.dma_semaphore, #tpu.memory_space<semaphore_mem>>)
        %dma_wait3A_985 = arith.constant 8 : i32
        %dma_wait3A_986 = arith.constant 8 : i32
        %dma_wait3A_987 = arith.constant 0 : i32
        %dma_wait3A_988 = arith.constant 0 : i32
        %dma_wait3A_989 = tpu.memref_slice %arg6[%dma_wait3A_985, %dma_wait3A_987, %dma_wait3A_988] : memref<10x40x128xf32, #tpu.memory_space<vmem>> -> memref<1x40x128xf32, #tpu.memory_space<vmem>>
        %dma_wait3A_990 = tpu.memref_squeeze %dma_wait3A_989 : memref<1x40x128xf32, #tpu.memory_space<vmem>> -> memref<40x128xf32, #tpu.memory_space<vmem>>
        %dma_wait3A_991 = arith.constant 0 : i32
        %dma_wait3A_992 = tpu.memref_slice %arg4[%mul3A_2, %dma_wait3A_991] : memref<204800x128xf32, #tpu.memory_space<hbm>> -> memref<40x128xf32, #tpu.memory_space<hbm>>
        %dma_wait3A_993 = tpu.memref_slice %arg9[%dma_wait3A_986] : memref<10x!tpu.dma_semaphore, #tpu.memory_space<semaphore_mem>> -> memref<1x!tpu.dma_semaphore, #tpu.memory_space<semaphore_mem>>
        %dma_wait3A_994 = tpu.memref_squeeze %dma_wait3A_993 : memref<1x!tpu.dma_semaphore, #tpu.memory_space<semaphore_mem>> -> memref<!tpu.dma_semaphore, #tpu.memory_space<semaphore_mem>>
        %dma_wait3A_995 = arith.constant 0 : i32
        %dma_wait3A_996 = tpu.memref_slice %arg4[%mul3A_2, %dma_wait3A_995] : memref<204800x128xf32, #tpu.memory_space<hbm>> -> memref<40x128xf32, #tpu.memory_space<hbm>>
        %dma_wait3A_997 = arith.constant 0 : i32
        %dma_wait3A_998 = arith.constant 0 : i32
        %dma_wait3A_999 = tpu.memref_slice %arg6[%dma_wait3A_985, %dma_wait3A_997, %dma_wait3A_998] : memref<10x40x128xf32, #tpu.memory_space<vmem>> -> memref<1x40x128xf32, #tpu.memory_space<vmem>>
        %dma_wait3A_1000 = tpu.memref_squeeze %dma_wait3A_999 : memref<1x40x128xf32, #tpu.memory_space<vmem>> -> memref<40x128xf32, #tpu.memory_space<vmem>>
        tpu.wait_dma2 semaphore(%dma_wait3A_994 : memref<!tpu.dma_semaphore, #tpu.memory_space<semaphore_mem>>) src(%dma_wait3A_1000 : memref<40x128xf32, #tpu.memory_space<vmem>>) dst(%dma_wait3A_996 : memref<40x128xf32, #tpu.memory_space<hbm>>)
        %add3A_1001 = arith.constant 10 : i32
        %add3A_1002 = arith.addi %mul3A_320, %add3A_1001 : i32
        %add3A_1003 = arith.constant 8 : i32
        %add3A_1004 = arith.addi %add3A_1002, %add3A_1003 : i32
        %mul3A_1005 = arith.constant 40 : i32
        %mul3A_1006 = arith.muli %add3A_1004, %mul3A_1005 : i32
        %dma_start3A_1007 = arith.constant 8 : i32
        %dma_start3A_1008 = arith.constant 8 : i32
        %dma_start3A_1009 = arith.constant 0 : i32
        %dma_start3A_1010 = arith.constant 0 : i32
        %dma_start3A_1011 = tpu.memref_slice %arg6[%dma_start3A_1007, %dma_start3A_1009, %dma_start3A_1010] : memref<10x40x128xf32, #tpu.memory_space<vmem>> -> memref<1x40x128xf32, #tpu.memory_space<vmem>>
        %dma_start3A_1012 = tpu.memref_squeeze %dma_start3A_1011 : memref<1x40x128xf32, #tpu.memory_space<vmem>> -> memref<40x128xf32, #tpu.memory_space<vmem>>
        %dma_start3A_1013 = tpu.memref_slice %arg5[%mul3A_1006] : memref<6400xi32, #tpu.memory_space<vmem>> -> memref<40xi32, #tpu.memory_space<vmem>>
        %dma_start3A_1014 = arith.constant 0 : i32
        %dma_start3A_1015 = arith.constant 0 : i32
        %dma_start3A_1016 = tpu.memref_slice %arg7[%dma_start3A_1014, %dma_start3A_1015] : memref<8192x128xf32, #tpu.memory_space<vmem_shared>> -> memref<8192x128xf32, #tpu.memory_space<vmem_shared>>
        %dma_start3A_1017 = tpu.memref_slice %arg8[%dma_start3A_1008] : memref<10x!tpu.dma_semaphore, #tpu.memory_space<semaphore_mem>> -> memref<1x!tpu.dma_semaphore, #tpu.memory_space<semaphore_mem>>
        %dma_start3A_1018 = tpu.memref_squeeze %dma_start3A_1017 : memref<1x!tpu.dma_semaphore, #tpu.memory_space<semaphore_mem>> -> memref<!tpu.dma_semaphore, #tpu.memory_space<semaphore_mem>>
        tpu.enqueue_indirect_dma source(%dma_start3A_1016 : memref<8192x128xf32, #tpu.memory_space<vmem_shared>>) target(%dma_start3A_1012 : memref<40x128xf32, #tpu.memory_space<vmem>>) offsets(%dma_start3A_1013 : memref<40xi32, #tpu.memory_space<vmem>>) semaphore(%dma_start3A_1018 : memref<!tpu.dma_semaphore, #tpu.memory_space<semaphore_mem>>)
        %dma_wait3A_1019 = arith.constant 9 : i32
        %dma_wait3A_1020 = arith.constant 9 : i32
        %dma_wait3A_1021 = arith.constant 0 : i32
        %dma_wait3A_1022 = arith.constant 0 : i32
        %dma_wait3A_1023 = tpu.memref_slice %arg6[%dma_wait3A_1019, %dma_wait3A_1021, %dma_wait3A_1022] : memref<10x40x128xf32, #tpu.memory_space<vmem>> -> memref<1x40x128xf32, #tpu.memory_space<vmem>>
        %dma_wait3A_1024 = tpu.memref_squeeze %dma_wait3A_1023 : memref<1x40x128xf32, #tpu.memory_space<vmem>> -> memref<40x128xf32, #tpu.memory_space<vmem>>
        %dma_wait3A_1025 = arith.constant 0 : i32
        %dma_wait3A_1026 = tpu.memref_slice %arg4[%mul3A_2, %dma_wait3A_1025] : memref<204800x128xf32, #tpu.memory_space<hbm>> -> memref<40x128xf32, #tpu.memory_space<hbm>>
        %dma_wait3A_1027 = tpu.memref_slice %arg9[%dma_wait3A_1020] : memref<10x!tpu.dma_semaphore, #tpu.memory_space<semaphore_mem>> -> memref<1x!tpu.dma_semaphore, #tpu.memory_space<semaphore_mem>>
        %dma_wait3A_1028 = tpu.memref_squeeze %dma_wait3A_1027 : memref<1x!tpu.dma_semaphore, #tpu.memory_space<semaphore_mem>> -> memref<!tpu.dma_semaphore, #tpu.memory_space<semaphore_mem>>
        %dma_wait3A_1029 = arith.constant 0 : i32
        %dma_wait3A_1030 = tpu.memref_slice %arg4[%mul3A_2, %dma_wait3A_1029] : memref<204800x128xf32, #tpu.memory_space<hbm>> -> memref<40x128xf32, #tpu.memory_space<hbm>>
        %dma_wait3A_1031 = arith.constant 0 : i32
        %dma_wait3A_1032 = arith.constant 0 : i32
        %dma_wait3A_1033 = tpu.memref_slice %arg6[%dma_wait3A_1019, %dma_wait3A_1031, %dma_wait3A_1032] : memref<10x40x128xf32, #tpu.memory_space<vmem>> -> memref<1x40x128xf32, #tpu.memory_space<vmem>>
        %dma_wait3A_1034 = tpu.memref_squeeze %dma_wait3A_1033 : memref<1x40x128xf32, #tpu.memory_space<vmem>> -> memref<40x128xf32, #tpu.memory_space<vmem>>
        tpu.wait_dma2 semaphore(%dma_wait3A_1028 : memref<!tpu.dma_semaphore, #tpu.memory_space<semaphore_mem>>) src(%dma_wait3A_1034 : memref<40x128xf32, #tpu.memory_space<vmem>>) dst(%dma_wait3A_1030 : memref<40x128xf32, #tpu.memory_space<hbm>>)
        %add3A_1035 = arith.constant 10 : i32
        %add3A_1036 = arith.addi %mul3A_320, %add3A_1035 : i32
        %add3A_1037 = arith.constant 9 : i32
        %add3A_1038 = arith.addi %add3A_1036, %add3A_1037 : i32
        %mul3A_1039 = arith.constant 40 : i32
        %mul3A_1040 = arith.muli %add3A_1038, %mul3A_1039 : i32
        %dma_start3A_1041 = arith.constant 9 : i32
        %dma_start3A_1042 = arith.constant 9 : i32
        %dma_start3A_1043 = arith.constant 0 : i32
        %dma_start3A_1044 = arith.constant 0 : i32
        %dma_start3A_1045 = tpu.memref_slice %arg6[%dma_start3A_1041, %dma_start3A_1043, %dma_start3A_1044] : memref<10x40x128xf32, #tpu.memory_space<vmem>> -> memref<1x40x128xf32, #tpu.memory_space<vmem>>
        %dma_start3A_1046 = tpu.memref_squeeze %dma_start3A_1045 : memref<1x40x128xf32, #tpu.memory_space<vmem>> -> memref<40x128xf32, #tpu.memory_space<vmem>>
        %dma_start3A_1047 = tpu.memref_slice %arg5[%mul3A_1040] : memref<6400xi32, #tpu.memory_space<vmem>> -> memref<40xi32, #tpu.memory_space<vmem>>
        %dma_start3A_1048 = arith.constant 0 : i32
        %dma_start3A_1049 = arith.constant 0 : i32
        %dma_start3A_1050 = tpu.memref_slice %arg7[%dma_start3A_1048, %dma_start3A_1049] : memref<8192x128xf32, #tpu.memory_space<vmem_shared>> -> memref<8192x128xf32, #tpu.memory_space<vmem_shared>>
        %dma_start3A_1051 = tpu.memref_slice %arg8[%dma_start3A_1042] : memref<10x!tpu.dma_semaphore, #tpu.memory_space<semaphore_mem>> -> memref<1x!tpu.dma_semaphore, #tpu.memory_space<semaphore_mem>>
        %dma_start3A_1052 = tpu.memref_squeeze %dma_start3A_1051 : memref<1x!tpu.dma_semaphore, #tpu.memory_space<semaphore_mem>> -> memref<!tpu.dma_semaphore, #tpu.memory_space<semaphore_mem>>
        tpu.enqueue_indirect_dma source(%dma_start3A_1050 : memref<8192x128xf32, #tpu.memory_space<vmem_shared>>) target(%dma_start3A_1046 : memref<40x128xf32, #tpu.memory_space<vmem>>) offsets(%dma_start3A_1047 : memref<40xi32, #tpu.memory_space<vmem>>) semaphore(%dma_start3A_1052 : memref<!tpu.dma_semaphore, #tpu.memory_space<semaphore_mem>>)
      } else {
      }
    }
    %scan3A_157 = arith.constant 16 : i32
    %dma_wait3A_158 = arith.constant 0 : i32
    %dma_wait3A_159 = arith.constant 0 : i32
    %dma_wait3A_160 = arith.constant 0 : i32
    %dma_wait3A_161 = arith.constant 0 : i32
    %dma_wait3A_162 = tpu.memref_slice %arg6[%dma_wait3A_158, %dma_wait3A_160, %dma_wait3A_161] : memref<10x40x128xf32, #tpu.memory_space<vmem>> -> memref<1x40x128xf32, #tpu.memory_space<vmem>>
    %dma_wait3A_163 = tpu.memref_squeeze %dma_wait3A_162 : memref<1x40x128xf32, #tpu.memory_space<vmem>> -> memref<40x128xf32, #tpu.memory_space<vmem>>
    %dma_wait3A_164 = arith.constant 0 : i32
    %dma_wait3A_165 = tpu.memref_slice %arg4[%mul3A_2, %dma_wait3A_164] : memref<204800x128xf32, #tpu.memory_space<hbm>> -> memref<40x128xf32, #tpu.memory_space<hbm>>
    %dma_wait3A_166 = tpu.memref_slice %arg9[%dma_wait3A_159] : memref<10x!tpu.dma_semaphore, #tpu.memory_space<semaphore_mem>> -> memref<1x!tpu.dma_semaphore, #tpu.memory_space<semaphore_mem>>
    %dma_wait3A_167 = tpu.memref_squeeze %dma_wait3A_166 : memref<1x!tpu.dma_semaphore, #tpu.memory_space<semaphore_mem>> -> memref<!tpu.dma_semaphore, #tpu.memory_space<semaphore_mem>>
    %dma_wait3A_168 = arith.constant 0 : i32
    %dma_wait3A_169 = tpu.memref_slice %arg4[%mul3A_2, %dma_wait3A_168] : memref<204800x128xf32, #tpu.memory_space<hbm>> -> memref<40x128xf32, #tpu.memory_space<hbm>>
    %dma_wait3A_170 = arith.constant 0 : i32
    %dma_wait3A_171 = arith.constant 0 : i32
    %dma_wait3A_172 = tpu.memref_slice %arg6[%dma_wait3A_158, %dma_wait3A_170, %dma_wait3A_171] : memref<10x40x128xf32, #tpu.memory_space<vmem>> -> memref<1x40x128xf32, #tpu.memory_space<vmem>>
    %dma_wait3A_173 = tpu.memref_squeeze %dma_wait3A_172 : memref<1x40x128xf32, #tpu.memory_space<vmem>> -> memref<40x128xf32, #tpu.memory_space<vmem>>
    tpu.wait_dma2 semaphore(%dma_wait3A_167 : memref<!tpu.dma_semaphore, #tpu.memory_space<semaphore_mem>>) src(%dma_wait3A_173 : memref<40x128xf32, #tpu.memory_space<vmem>>) dst(%dma_wait3A_169 : memref<40x128xf32, #tpu.memory_space<hbm>>)
    %dma_wait3A_174 = arith.constant 1 : i32
    %dma_wait3A_175 = arith.constant 1 : i32
    %dma_wait3A_176 = arith.constant 0 : i32
    %dma_wait3A_177 = arith.constant 0 : i32
    %dma_wait3A_178 = tpu.memref_slice %arg6[%dma_wait3A_174, %dma_wait3A_176, %dma_wait3A_177] : memref<10x40x128xf32, #tpu.memory_space<vmem>> -> memref<1x40x128xf32, #tpu.memory_space<vmem>>
    %dma_wait3A_179 = tpu.memref_squeeze %dma_wait3A_178 : memref<1x40x128xf32, #tpu.memory_space<vmem>> -> memref<40x128xf32, #tpu.memory_space<vmem>>
    %dma_wait3A_180 = arith.constant 0 : i32
    %dma_wait3A_181 = tpu.memref_slice %arg4[%mul3A_2, %dma_wait3A_180] : memref<204800x128xf32, #tpu.memory_space<hbm>> -> memref<40x128xf32, #tpu.memory_space<hbm>>
    %dma_wait3A_182 = tpu.memref_slice %arg9[%dma_wait3A_175] : memref<10x!tpu.dma_semaphore, #tpu.memory_space<semaphore_mem>> -> memref<1x!tpu.dma_semaphore, #tpu.memory_space<semaphore_mem>>
    %dma_wait3A_183 = tpu.memref_squeeze %dma_wait3A_182 : memref<1x!tpu.dma_semaphore, #tpu.memory_space<semaphore_mem>> -> memref<!tpu.dma_semaphore, #tpu.memory_space<semaphore_mem>>
    %dma_wait3A_184 = arith.constant 0 : i32
    %dma_wait3A_185 = tpu.memref_slice %arg4[%mul3A_2, %dma_wait3A_184] : memref<204800x128xf32, #tpu.memory_space<hbm>> -> memref<40x128xf32, #tpu.memory_space<hbm>>
    %dma_wait3A_186 = arith.constant 0 : i32
    %dma_wait3A_187 = arith.constant 0 : i32
    %dma_wait3A_188 = tpu.memref_slice %arg6[%dma_wait3A_174, %dma_wait3A_186, %dma_wait3A_187] : memref<10x40x128xf32, #tpu.memory_space<vmem>> -> memref<1x40x128xf32, #tpu.memory_space<vmem>>
    %dma_wait3A_189 = tpu.memref_squeeze %dma_wait3A_188 : memref<1x40x128xf32, #tpu.memory_space<vmem>> -> memref<40x128xf32, #tpu.memory_space<vmem>>
    tpu.wait_dma2 semaphore(%dma_wait3A_183 : memref<!tpu.dma_semaphore, #tpu.memory_space<semaphore_mem>>) src(%dma_wait3A_189 : memref<40x128xf32, #tpu.memory_space<vmem>>) dst(%dma_wait3A_185 : memref<40x128xf32, #tpu.memory_space<hbm>>)
    %dma_wait3A_190 = arith.constant 2 : i32
    %dma_wait3A_191 = arith.constant 2 : i32
    %dma_wait3A_192 = arith.constant 0 : i32
    %dma_wait3A_193 = arith.constant 0 : i32
    %dma_wait3A_194 = tpu.memref_slice %arg6[%dma_wait3A_190, %dma_wait3A_192, %dma_wait3A_193] : memref<10x40x128xf32, #tpu.memory_space<vmem>> -> memref<1x40x128xf32, #tpu.memory_space<vmem>>
    %dma_wait3A_195 = tpu.memref_squeeze %dma_wait3A_194 : memref<1x40x128xf32, #tpu.memory_space<vmem>> -> memref<40x128xf32, #tpu.memory_space<vmem>>
    %dma_wait3A_196 = arith.constant 0 : i32
    %dma_wait3A_197 = tpu.memref_slice %arg4[%mul3A_2, %dma_wait3A_196] : memref<204800x128xf32, #tpu.memory_space<hbm>> -> memref<40x128xf32, #tpu.memory_space<hbm>>
    %dma_wait3A_198 = tpu.memref_slice %arg9[%dma_wait3A_191] : memref<10x!tpu.dma_semaphore, #tpu.memory_space<semaphore_mem>> -> memref<1x!tpu.dma_semaphore, #tpu.memory_space<semaphore_mem>>
    %dma_wait3A_199 = tpu.memref_squeeze %dma_wait3A_198 : memref<1x!tpu.dma_semaphore, #tpu.memory_space<semaphore_mem>> -> memref<!tpu.dma_semaphore, #tpu.memory_space<semaphore_mem>>
    %dma_wait3A_200 = arith.constant 0 : i32
    %dma_wait3A_201 = tpu.memref_slice %arg4[%mul3A_2, %dma_wait3A_200] : memref<204800x128xf32, #tpu.memory_space<hbm>> -> memref<40x128xf32, #tpu.memory_space<hbm>>
    %dma_wait3A_202 = arith.constant 0 : i32
    %dma_wait3A_203 = arith.constant 0 : i32
    %dma_wait3A_204 = tpu.memref_slice %arg6[%dma_wait3A_190, %dma_wait3A_202, %dma_wait3A_203] : memref<10x40x128xf32, #tpu.memory_space<vmem>> -> memref<1x40x128xf32, #tpu.memory_space<vmem>>
    %dma_wait3A_205 = tpu.memref_squeeze %dma_wait3A_204 : memref<1x40x128xf32, #tpu.memory_space<vmem>> -> memref<40x128xf32, #tpu.memory_space<vmem>>
    tpu.wait_dma2 semaphore(%dma_wait3A_199 : memref<!tpu.dma_semaphore, #tpu.memory_space<semaphore_mem>>) src(%dma_wait3A_205 : memref<40x128xf32, #tpu.memory_space<vmem>>) dst(%dma_wait3A_201 : memref<40x128xf32, #tpu.memory_space<hbm>>)
    %dma_wait3A_206 = arith.constant 3 : i32
    %dma_wait3A_207 = arith.constant 3 : i32
    %dma_wait3A_208 = arith.constant 0 : i32
    %dma_wait3A_209 = arith.constant 0 : i32
    %dma_wait3A_210 = tpu.memref_slice %arg6[%dma_wait3A_206, %dma_wait3A_208, %dma_wait3A_209] : memref<10x40x128xf32, #tpu.memory_space<vmem>> -> memref<1x40x128xf32, #tpu.memory_space<vmem>>
    %dma_wait3A_211 = tpu.memref_squeeze %dma_wait3A_210 : memref<1x40x128xf32, #tpu.memory_space<vmem>> -> memref<40x128xf32, #tpu.memory_space<vmem>>
    %dma_wait3A_212 = arith.constant 0 : i32
    %dma_wait3A_213 = tpu.memref_slice %arg4[%mul3A_2, %dma_wait3A_212] : memref<204800x128xf32, #tpu.memory_space<hbm>> -> memref<40x128xf32, #tpu.memory_space<hbm>>
    %dma_wait3A_214 = tpu.memref_slice %arg9[%dma_wait3A_207] : memref<10x!tpu.dma_semaphore, #tpu.memory_space<semaphore_mem>> -> memref<1x!tpu.dma_semaphore, #tpu.memory_space<semaphore_mem>>
    %dma_wait3A_215 = tpu.memref_squeeze %dma_wait3A_214 : memref<1x!tpu.dma_semaphore, #tpu.memory_space<semaphore_mem>> -> memref<!tpu.dma_semaphore, #tpu.memory_space<semaphore_mem>>
    %dma_wait3A_216 = arith.constant 0 : i32
    %dma_wait3A_217 = tpu.memref_slice %arg4[%mul3A_2, %dma_wait3A_216] : memref<204800x128xf32, #tpu.memory_space<hbm>> -> memref<40x128xf32, #tpu.memory_space<hbm>>
    %dma_wait3A_218 = arith.constant 0 : i32
    %dma_wait3A_219 = arith.constant 0 : i32
    %dma_wait3A_220 = tpu.memref_slice %arg6[%dma_wait3A_206, %dma_wait3A_218, %dma_wait3A_219] : memref<10x40x128xf32, #tpu.memory_space<vmem>> -> memref<1x40x128xf32, #tpu.memory_space<vmem>>
    %dma_wait3A_221 = tpu.memref_squeeze %dma_wait3A_220 : memref<1x40x128xf32, #tpu.memory_space<vmem>> -> memref<40x128xf32, #tpu.memory_space<vmem>>
    tpu.wait_dma2 semaphore(%dma_wait3A_215 : memref<!tpu.dma_semaphore, #tpu.memory_space<semaphore_mem>>) src(%dma_wait3A_221 : memref<40x128xf32, #tpu.memory_space<vmem>>) dst(%dma_wait3A_217 : memref<40x128xf32, #tpu.memory_space<hbm>>)
    %dma_wait3A_222 = arith.constant 4 : i32
    %dma_wait3A_223 = arith.constant 4 : i32
    %dma_wait3A_224 = arith.constant 0 : i32
    %dma_wait3A_225 = arith.constant 0 : i32
    %dma_wait3A_226 = tpu.memref_slice %arg6[%dma_wait3A_222, %dma_wait3A_224, %dma_wait3A_225] : memref<10x40x128xf32, #tpu.memory_space<vmem>> -> memref<1x40x128xf32, #tpu.memory_space<vmem>>
    %dma_wait3A_227 = tpu.memref_squeeze %dma_wait3A_226 : memref<1x40x128xf32, #tpu.memory_space<vmem>> -> memref<40x128xf32, #tpu.memory_space<vmem>>
    %dma_wait3A_228 = arith.constant 0 : i32
    %dma_wait3A_229 = tpu.memref_slice %arg4[%mul3A_2, %dma_wait3A_228] : memref<204800x128xf32, #tpu.memory_space<hbm>> -> memref<40x128xf32, #tpu.memory_space<hbm>>
    %dma_wait3A_230 = tpu.memref_slice %arg9[%dma_wait3A_223] : memref<10x!tpu.dma_semaphore, #tpu.memory_space<semaphore_mem>> -> memref<1x!tpu.dma_semaphore, #tpu.memory_space<semaphore_mem>>
    %dma_wait3A_231 = tpu.memref_squeeze %dma_wait3A_230 : memref<1x!tpu.dma_semaphore, #tpu.memory_space<semaphore_mem>> -> memref<!tpu.dma_semaphore, #tpu.memory_space<semaphore_mem>>
    %dma_wait3A_232 = arith.constant 0 : i32
    %dma_wait3A_233 = tpu.memref_slice %arg4[%mul3A_2, %dma_wait3A_232] : memref<204800x128xf32, #tpu.memory_space<hbm>> -> memref<40x128xf32, #tpu.memory_space<hbm>>
    %dma_wait3A_234 = arith.constant 0 : i32
    %dma_wait3A_235 = arith.constant 0 : i32
    %dma_wait3A_236 = tpu.memref_slice %arg6[%dma_wait3A_222, %dma_wait3A_234, %dma_wait3A_235] : memref<10x40x128xf32, #tpu.memory_space<vmem>> -> memref<1x40x128xf32, #tpu.memory_space<vmem>>
    %dma_wait3A_237 = tpu.memref_squeeze %dma_wait3A_236 : memref<1x40x128xf32, #tpu.memory_space<vmem>> -> memref<40x128xf32, #tpu.memory_space<vmem>>
    tpu.wait_dma2 semaphore(%dma_wait3A_231 : memref<!tpu.dma_semaphore, #tpu.memory_space<semaphore_mem>>) src(%dma_wait3A_237 : memref<40x128xf32, #tpu.memory_space<vmem>>) dst(%dma_wait3A_233 : memref<40x128xf32, #tpu.memory_space<hbm>>)
    %dma_wait3A_238 = arith.constant 5 : i32
    %dma_wait3A_239 = arith.constant 5 : i32
    %dma_wait3A_240 = arith.constant 0 : i32
    %dma_wait3A_241 = arith.constant 0 : i32
    %dma_wait3A_242 = tpu.memref_slice %arg6[%dma_wait3A_238, %dma_wait3A_240, %dma_wait3A_241] : memref<10x40x128xf32, #tpu.memory_space<vmem>> -> memref<1x40x128xf32, #tpu.memory_space<vmem>>
    %dma_wait3A_243 = tpu.memref_squeeze %dma_wait3A_242 : memref<1x40x128xf32, #tpu.memory_space<vmem>> -> memref<40x128xf32, #tpu.memory_space<vmem>>
    %dma_wait3A_244 = arith.constant 0 : i32
    %dma_wait3A_245 = tpu.memref_slice %arg4[%mul3A_2, %dma_wait3A_244] : memref<204800x128xf32, #tpu.memory_space<hbm>> -> memref<40x128xf32, #tpu.memory_space<hbm>>
    %dma_wait3A_246 = tpu.memref_slice %arg9[%dma_wait3A_239] : memref<10x!tpu.dma_semaphore, #tpu.memory_space<semaphore_mem>> -> memref<1x!tpu.dma_semaphore, #tpu.memory_space<semaphore_mem>>
    %dma_wait3A_247 = tpu.memref_squeeze %dma_wait3A_246 : memref<1x!tpu.dma_semaphore, #tpu.memory_space<semaphore_mem>> -> memref<!tpu.dma_semaphore, #tpu.memory_space<semaphore_mem>>
    %dma_wait3A_248 = arith.constant 0 : i32
    %dma_wait3A_249 = tpu.memref_slice %arg4[%mul3A_2, %dma_wait3A_248] : memref<204800x128xf32, #tpu.memory_space<hbm>> -> memref<40x128xf32, #tpu.memory_space<hbm>>
    %dma_wait3A_250 = arith.constant 0 : i32
    %dma_wait3A_251 = arith.constant 0 : i32
    %dma_wait3A_252 = tpu.memref_slice %arg6[%dma_wait3A_238, %dma_wait3A_250, %dma_wait3A_251] : memref<10x40x128xf32, #tpu.memory_space<vmem>> -> memref<1x40x128xf32, #tpu.memory_space<vmem>>
    %dma_wait3A_253 = tpu.memref_squeeze %dma_wait3A_252 : memref<1x40x128xf32, #tpu.memory_space<vmem>> -> memref<40x128xf32, #tpu.memory_space<vmem>>
    tpu.wait_dma2 semaphore(%dma_wait3A_247 : memref<!tpu.dma_semaphore, #tpu.memory_space<semaphore_mem>>) src(%dma_wait3A_253 : memref<40x128xf32, #tpu.memory_space<vmem>>) dst(%dma_wait3A_249 : memref<40x128xf32, #tpu.memory_space<hbm>>)
    %dma_wait3A_254 = arith.constant 6 : i32
    %dma_wait3A_255 = arith.constant 6 : i32
    %dma_wait3A_256 = arith.constant 0 : i32
    %dma_wait3A_257 = arith.constant 0 : i32
    %dma_wait3A_258 = tpu.memref_slice %arg6[%dma_wait3A_254, %dma_wait3A_256, %dma_wait3A_257] : memref<10x40x128xf32, #tpu.memory_space<vmem>> -> memref<1x40x128xf32, #tpu.memory_space<vmem>>
    %dma_wait3A_259 = tpu.memref_squeeze %dma_wait3A_258 : memref<1x40x128xf32, #tpu.memory_space<vmem>> -> memref<40x128xf32, #tpu.memory_space<vmem>>
    %dma_wait3A_260 = arith.constant 0 : i32
    %dma_wait3A_261 = tpu.memref_slice %arg4[%mul3A_2, %dma_wait3A_260] : memref<204800x128xf32, #tpu.memory_space<hbm>> -> memref<40x128xf32, #tpu.memory_space<hbm>>
    %dma_wait3A_262 = tpu.memref_slice %arg9[%dma_wait3A_255] : memref<10x!tpu.dma_semaphore, #tpu.memory_space<semaphore_mem>> -> memref<1x!tpu.dma_semaphore, #tpu.memory_space<semaphore_mem>>
    %dma_wait3A_263 = tpu.memref_squeeze %dma_wait3A_262 : memref<1x!tpu.dma_semaphore, #tpu.memory_space<semaphore_mem>> -> memref<!tpu.dma_semaphore, #tpu.memory_space<semaphore_mem>>
    %dma_wait3A_264 = arith.constant 0 : i32
    %dma_wait3A_265 = tpu.memref_slice %arg4[%mul3A_2, %dma_wait3A_264] : memref<204800x128xf32, #tpu.memory_space<hbm>> -> memref<40x128xf32, #tpu.memory_space<hbm>>
    %dma_wait3A_266 = arith.constant 0 : i32
    %dma_wait3A_267 = arith.constant 0 : i32
    %dma_wait3A_268 = tpu.memref_slice %arg6[%dma_wait3A_254, %dma_wait3A_266, %dma_wait3A_267] : memref<10x40x128xf32, #tpu.memory_space<vmem>> -> memref<1x40x128xf32, #tpu.memory_space<vmem>>
    %dma_wait3A_269 = tpu.memref_squeeze %dma_wait3A_268 : memref<1x40x128xf32, #tpu.memory_space<vmem>> -> memref<40x128xf32, #tpu.memory_space<vmem>>
    tpu.wait_dma2 semaphore(%dma_wait3A_263 : memref<!tpu.dma_semaphore, #tpu.memory_space<semaphore_mem>>) src(%dma_wait3A_269 : memref<40x128xf32, #tpu.memory_space<vmem>>) dst(%dma_wait3A_265 : memref<40x128xf32, #tpu.memory_space<hbm>>)
    %dma_wait3A_270 = arith.constant 7 : i32
    %dma_wait3A_271 = arith.constant 7 : i32
    %dma_wait3A_272 = arith.constant 0 : i32
    %dma_wait3A_273 = arith.constant 0 : i32
    %dma_wait3A_274 = tpu.memref_slice %arg6[%dma_wait3A_270, %dma_wait3A_272, %dma_wait3A_273] : memref<10x40x128xf32, #tpu.memory_space<vmem>> -> memref<1x40x128xf32, #tpu.memory_space<vmem>>
    %dma_wait3A_275 = tpu.memref_squeeze %dma_wait3A_274 : memref<1x40x128xf32, #tpu.memory_space<vmem>> -> memref<40x128xf32, #tpu.memory_space<vmem>>
    %dma_wait3A_276 = arith.constant 0 : i32
    %dma_wait3A_277 = tpu.memref_slice %arg4[%mul3A_2, %dma_wait3A_276] : memref<204800x128xf32, #tpu.memory_space<hbm>> -> memref<40x128xf32, #tpu.memory_space<hbm>>
    %dma_wait3A_278 = tpu.memref_slice %arg9[%dma_wait3A_271] : memref<10x!tpu.dma_semaphore, #tpu.memory_space<semaphore_mem>> -> memref<1x!tpu.dma_semaphore, #tpu.memory_space<semaphore_mem>>
    %dma_wait3A_279 = tpu.memref_squeeze %dma_wait3A_278 : memref<1x!tpu.dma_semaphore, #tpu.memory_space<semaphore_mem>> -> memref<!tpu.dma_semaphore, #tpu.memory_space<semaphore_mem>>
    %dma_wait3A_280 = arith.constant 0 : i32
    %dma_wait3A_281 = tpu.memref_slice %arg4[%mul3A_2, %dma_wait3A_280] : memref<204800x128xf32, #tpu.memory_space<hbm>> -> memref<40x128xf32, #tpu.memory_space<hbm>>
    %dma_wait3A_282 = arith.constant 0 : i32
    %dma_wait3A_283 = arith.constant 0 : i32
    %dma_wait3A_284 = tpu.memref_slice %arg6[%dma_wait3A_270, %dma_wait3A_282, %dma_wait3A_283] : memref<10x40x128xf32, #tpu.memory_space<vmem>> -> memref<1x40x128xf32, #tpu.memory_space<vmem>>
    %dma_wait3A_285 = tpu.memref_squeeze %dma_wait3A_284 : memref<1x40x128xf32, #tpu.memory_space<vmem>> -> memref<40x128xf32, #tpu.memory_space<vmem>>
    tpu.wait_dma2 semaphore(%dma_wait3A_279 : memref<!tpu.dma_semaphore, #tpu.memory_space<semaphore_mem>>) src(%dma_wait3A_285 : memref<40x128xf32, #tpu.memory_space<vmem>>) dst(%dma_wait3A_281 : memref<40x128xf32, #tpu.memory_space<hbm>>)
    %dma_wait3A_286 = arith.constant 8 : i32
    %dma_wait3A_287 = arith.constant 8 : i32
    %dma_wait3A_288 = arith.constant 0 : i32
    %dma_wait3A_289 = arith.constant 0 : i32
    %dma_wait3A_290 = tpu.memref_slice %arg6[%dma_wait3A_286, %dma_wait3A_288, %dma_wait3A_289] : memref<10x40x128xf32, #tpu.memory_space<vmem>> -> memref<1x40x128xf32, #tpu.memory_space<vmem>>
    %dma_wait3A_291 = tpu.memref_squeeze %dma_wait3A_290 : memref<1x40x128xf32, #tpu.memory_space<vmem>> -> memref<40x128xf32, #tpu.memory_space<vmem>>
    %dma_wait3A_292 = arith.constant 0 : i32
    %dma_wait3A_293 = tpu.memref_slice %arg4[%mul3A_2, %dma_wait3A_292] : memref<204800x128xf32, #tpu.memory_space<hbm>> -> memref<40x128xf32, #tpu.memory_space<hbm>>
    %dma_wait3A_294 = tpu.memref_slice %arg9[%dma_wait3A_287] : memref<10x!tpu.dma_semaphore, #tpu.memory_space<semaphore_mem>> -> memref<1x!tpu.dma_semaphore, #tpu.memory_space<semaphore_mem>>
    %dma_wait3A_295 = tpu.memref_squeeze %dma_wait3A_294 : memref<1x!tpu.dma_semaphore, #tpu.memory_space<semaphore_mem>> -> memref<!tpu.dma_semaphore, #tpu.memory_space<semaphore_mem>>
    %dma_wait3A_296 = arith.constant 0 : i32
    %dma_wait3A_297 = tpu.memref_slice %arg4[%mul3A_2, %dma_wait3A_296] : memref<204800x128xf32, #tpu.memory_space<hbm>> -> memref<40x128xf32, #tpu.memory_space<hbm>>
    %dma_wait3A_298 = arith.constant 0 : i32
    %dma_wait3A_299 = arith.constant 0 : i32
    %dma_wait3A_300 = tpu.memref_slice %arg6[%dma_wait3A_286, %dma_wait3A_298, %dma_wait3A_299] : memref<10x40x128xf32, #tpu.memory_space<vmem>> -> memref<1x40x128xf32, #tpu.memory_space<vmem>>
    %dma_wait3A_301 = tpu.memref_squeeze %dma_wait3A_300 : memref<1x40x128xf32, #tpu.memory_space<vmem>> -> memref<40x128xf32, #tpu.memory_space<vmem>>
    tpu.wait_dma2 semaphore(%dma_wait3A_295 : memref<!tpu.dma_semaphore, #tpu.memory_space<semaphore_mem>>) src(%dma_wait3A_301 : memref<40x128xf32, #tpu.memory_space<vmem>>) dst(%dma_wait3A_297 : memref<40x128xf32, #tpu.memory_space<hbm>>)
    %dma_wait3A_302 = arith.constant 9 : i32
    %dma_wait3A_303 = arith.constant 9 : i32
    %dma_wait3A_304 = arith.constant 0 : i32
    %dma_wait3A_305 = arith.constant 0 : i32
    %dma_wait3A_306 = tpu.memref_slice %arg6[%dma_wait3A_302, %dma_wait3A_304, %dma_wait3A_305] : memref<10x40x128xf32, #tpu.memory_space<vmem>> -> memref<1x40x128xf32, #tpu.memory_space<vmem>>
    %dma_wait3A_307 = tpu.memref_squeeze %dma_wait3A_306 : memref<1x40x128xf32, #tpu.memory_space<vmem>> -> memref<40x128xf32, #tpu.memory_space<vmem>>
    %dma_wait3A_308 = arith.constant 0 : i32
    %dma_wait3A_309 = tpu.memref_slice %arg4[%mul3A_2, %dma_wait3A_308] : memref<204800x128xf32, #tpu.memory_space<hbm>> -> memref<40x128xf32, #tpu.memory_space<hbm>>
    %dma_wait3A_310 = tpu.memref_slice %arg9[%dma_wait3A_303] : memref<10x!tpu.dma_semaphore, #tpu.memory_space<semaphore_mem>> -> memref<1x!tpu.dma_semaphore, #tpu.memory_space<semaphore_mem>>
    %dma_wait3A_311 = tpu.memref_squeeze %dma_wait3A_310 : memref<1x!tpu.dma_semaphore, #tpu.memory_space<semaphore_mem>> -> memref<!tpu.dma_semaphore, #tpu.memory_space<semaphore_mem>>
    %dma_wait3A_312 = arith.constant 0 : i32
    %dma_wait3A_313 = tpu.memref_slice %arg4[%mul3A_2, %dma_wait3A_312] : memref<204800x128xf32, #tpu.memory_space<hbm>> -> memref<40x128xf32, #tpu.memory_space<hbm>>
    %dma_wait3A_314 = arith.constant 0 : i32
    %dma_wait3A_315 = arith.constant 0 : i32
    %dma_wait3A_316 = tpu.memref_slice %arg6[%dma_wait3A_302, %dma_wait3A_314, %dma_wait3A_315] : memref<10x40x128xf32, #tpu.memory_space<vmem>> -> memref<1x40x128xf32, #tpu.memory_space<vmem>>
    %dma_wait3A_317 = tpu.memref_squeeze %dma_wait3A_316 : memref<1x40x128xf32, #tpu.memory_space<vmem>> -> memref<40x128xf32, #tpu.memory_space<vmem>>
    tpu.wait_dma2 semaphore(%dma_wait3A_311 : memref<!tpu.dma_semaphore, #tpu.memory_space<semaphore_mem>>) src(%dma_wait3A_317 : memref<40x128xf32, #tpu.memory_space<vmem>>) dst(%dma_wait3A_313 : memref<40x128xf32, #tpu.memory_space<hbm>>)
    return
  }
}

</mosaic_0001>

<sc_bundles>
// kernel: _embedding_gather.3.cloned.1.call-start
scs
__scs_entry_jumppad:
0x0: {  	(pc) =	sbr.rel $0x88, $3  }
0x1: {  	(tag) =	ssettag $0x0;
	lr =	simm.s32 $0x1  }
0x2: {  	[smem:$0x3F9F] =	sst lr;
	_ =	strace $0xD0000000  }
0x3: {  	_ = 	snop  }
0x4: {  	_ = 	snop  }
0x5: {  	_ = 	snop  }
0x6: {  	_ = 	snop  }
0x7: {  	_ = 	snop  }
__scs_overlays_trampoline_lowered:
0x8: {  	[smem:$0x3FAE] =	sst s0  }
0x9: {  	[smem:$0x3FAF] =	sst s1  }
0xa: {  	[smem:$0x3FB0] =	sst s2  }
0xb: {  	[smem:$0x3FB1] =	sst s3  }
0xc: {  	[smem:$0x3FB2] =	sst s4  }
0xd: {  	[smem:$0x3FB3] =	sst s5  }
0xe: {  	[smem:$0x3FB4] =	sst s6  }
0xf: {  	[smem:$0x3FB5] =	sst s7  }
0x10: {  	[smem:$0x3FB6] =	sst s8  }
0x11: {  	[smem:$0x3FB7] =	sst s9;
	s0 =	simm.s32 @!p0 $0x0  }
0x12: {  	s1 =	sld [smem:$0x3F9D];
	s0 =	simm.s32 @p0 $0x1  }
0x13: {  	[smem:$0x3FB8] =	sst s0;
	s0 =	simm.s32 @!p1 $0x0  }
0x14: {  	s2 =	sld [smem:$0x3F9C];
	s0 =	simm.s32 @p1 $0x1  }
0x15: {  	[smem:$0x3FB9] =	sst s0;
	s0 =	simm.s32 @!p2 $0x0  }
0x16: {  	s3 =	sld [smem:$0x3FDB];
	s0 =	simm.s32 @p2 $0x1  }
0x17: {  	s4 =	simm.s32 $0x1BF5;
	[smem:$0x3FBB] =	sst s0  }
0x18: {  	s0 =	sld [smem:$0x3F9E];
	_ =	swait.ge [sflag:s4], $0x0  }
0x19: {  	s7 =	sld [smem:$0x3F9F]  }
0x1a: {  	s8 =	sadd.s32 $0xFFFFE003, lr  }
0x1b: {  	s9 =	sadd.s32 $0xFFFFFEF7, lr;
	s5 =	simm.s32 $0xFFFFFFFF;
	p2 =	slt.u32 s8, $0xFFFFF086  }
0x1c: {  	p1 =	slt.u32 s9, $0xF7A;
	s5 =	simm.s32 @!p2 $0x0  }
0x1d: {  	s5 =	simm.s32 @p1 $0x1;
	p0 =	seq.s32 s7, s2  }
0x1e: {  	s7 =	smul.u32 @!p0 $0xF7A, s2;
	p2 =	seq.s32 @!p0 s5, $0x0  }
0x1f: {  	s9 =	smul.u32 $0xF7A, s1;
	s8 =	simm.s32 @!p0 $0x1BF5;
	p2 =	por !p2, p0  }
0x20: {  	[sflag:s8] =	ssyncset.s32 @!p0 $0xFFFFF086;
	s6 =	sadd.s32 @!p0 s3, s7;
	s7 =	simm.s32 @!p0 $0x108  }
0x21: {  	s3 =	sadd.s32 s3, s9;
	s6 =	sadd.s32 @!p0 $0x88, s6;
	s7 =	simm.s32 @p2 $0x1082  }
0x22: {  	[simem:s7], [sflag:s8] =	dma.local @!p0 [hbm:s6], $0xF7A  }
0x23: {  	s9 =	sor.u32 $0xD0000000, s2;
	s6 =	simm.s32 $0x108;
	_ =	swait.ge @!p0 [sflag:s8], $0x0  }
0x24: {  	s3 =	sadd.s32 $0x88, s3;
	s6 =	simm.s32 @!p1 $0x1082;
	[sflag:s4] =	ssyncset.s32 $0xFFFFF086  }
0x25: {  	[simem:s6], [sflag:s4] =	dma.local [hbm:s3], $0xF7A  }
0x26: {  	[smem:$0x3F9F] =	sst s1;
	(tag) =	ssettag s2;
	_ =	strace s9  }
0x27: {  	s1 =	sld [smem:$0x3FAF]  }
0x28: {  	s2 =	sld [smem:$0x3FB0]  }
0x29: {  	s4 =	sld [smem:$0x3FB2]  }
0x2a: {  	p0 =	seq.s32 s5, $0x0;
	s5 =	sld [smem:$0x3FB3]  }
0x2b: {  	s6 =	sld [smem:$0x3FB4]  }
0x2c: {  	s7 =	sld [smem:$0x3FB5]  }
0x2d: {  	s3 =	simm.s32 $0x108;
	s8 =	sld [smem:$0x3FB6]  }
0x2e: {  	s3 =	simm.s32 @!p0 $0x1082;
	s9 =	sld [smem:$0x3FB7]  }
0x2f: {  	lr =	sadd.s32 s0, s3;
	s0 =	sld [smem:$0x3FAE]  }
0x30: {  	s3 =	sld [smem:$0x3FB1]  }
0x31: {  	[smem:$0x3FBA] =	sst s10  }
0x32: {  	s10 =	sld [smem:$0x3FB8];
	_ =	sdelay $0x3  }
0x33: {  	p0 =	seq.s32 s10, $0x1;
	s10 =	sld [smem:$0x3FBA];
	_ =	sdelay $0x3  }
0x34: {  	[smem:$0x3FBA] =	sst s10  }
0x35: {  	s10 =	sld [smem:$0x3FB9];
	_ =	sdelay $0x3  }
0x36: {  	p1 =	seq.s32 s10, $0x1;
	s10 =	sld [smem:$0x3FBA];
	_ =	sdelay $0x3  }
0x37: {  	[smem:$0x3FBA] =	sst s10  }
0x38: {  	s10 =	sld [smem:$0x3FBB]  }
0x39: {  	_ = 	snop;
	(pc) =	sbr.ind lr, $3  }
0x3a: {  	_ = 	snop  }
0x3b: {  	_ = 	snop  }
0x3c: {  	p2 =	seq.s32 s10, $0x1;
	s10 =	sld [smem:$0x3FBA]  }
0x3d: {  	_ =	shalt  }
0x3e: {  	_ =	shalt  }
0x3f: {  	_ =	shalt  }
0x40: {  	_ =	shalt  }
0x41: {  	_ =	shalt  }
0x42: {  	_ =	shalt  }
0x43: {  	_ =	shalt  }
0x44: {  	_ =	shalt  }
0x45: {  	_ =	shalt  }
0x46: {  	_ =	shalt  }
0x47: {  	_ =	shalt  }
0x48: {  	_ =	shalt  }
0x49: {  	_ =	shalt  }
0x4a: {  	_ =	shalt  }
0x4b: {  	_ =	shalt  }
0x4c: {  	_ =	shalt  }
0x4d: {  	_ =	shalt  }
0x4e: {  	_ =	shalt  }
0x4f: {  	_ =	shalt  }
0x50: {  	_ =	shalt  }
0x51: {  	_ =	shalt  }
0x52: {  	_ =	shalt  }
0x53: {  	_ =	shalt  }
0x54: {  	_ =	shalt  }
0x55: {  	_ =	shalt  }
0x56: {  	_ =	shalt  }
0x57: {  	_ =	shalt  }
0x58: {  	_ =	shalt  }
0x59: {  	_ =	shalt  }
0x5a: {  	_ =	shalt  }
0x5b: {  	_ =	shalt  }
0x5c: {  	_ =	shalt  }
0x5d: {  	_ =	shalt  }
0x5e: {  	_ =	shalt  }
0x5f: {  	_ =	shalt  }
0x60: {  	_ =	shalt  }
0x61: {  	_ =	shalt  }
0x62: {  	_ =	shalt  }
0x63: {  	_ =	shalt  }
0x64: {  	_ =	shalt  }
0x65: {  	_ =	shalt  }
0x66: {  	_ =	shalt  }
0x67: {  	_ =	shalt  }
0x68: {  	_ =	shalt  }
0x69: {  	_ =	shalt  }
0x6a: {  	_ =	shalt  }
0x6b: {  	_ =	shalt  }
0x6c: {  	_ =	shalt  }
0x6d: {  	_ =	shalt  }
0x6e: {  	_ =	shalt  }
0x6f: {  	_ =	shalt  }
0x70: {  	_ =	shalt  }
0x71: {  	_ =	shalt  }
0x72: {  	_ =	shalt  }
0x73: {  	_ =	shalt  }
0x74: {  	_ =	shalt  }
0x75: {  	_ =	shalt  }
0x76: {  	_ =	shalt  }
0x77: {  	_ =	shalt  }
0x78: {  	_ =	shalt  }
0x79: {  	_ =	shalt  }
0x7a: {  	_ =	shalt  }
0x7b: {  	_ =	shalt  }
0x7c: {  	_ =	shalt  }
0x7d: {  	_ =	shalt  }
0x7e: {  	_ =	shalt  }
0x7f: {  	_ =	shalt  }
0x80: {  	_ =	shalt  }
0x81: {  	_ =	shalt  }
0x82: {  	_ =	shalt  }
0x83: {  	_ =	shalt  }
0x84: {  	_ =	shalt  }
0x85: {  	_ =	shalt  }
0x86: {  	_ =	shalt  }
0x87: {  	_ =	shalt  }
.Lfunc_end0:
.L_simem_size_0:
called_computation_lowered:
.L_overlay_start_0:
0x88: {  	s2 =	sld [smem:$0x3FD9]  }
0x89: {  	s3 =	sld [smem:$0x3FFE];
	_ =	sdelay $0x1  }
0x8a: {  	s1 =	srdreg.scid  }
0x8b: {  	s0 =	sand.u32 $0x1, s1  }
0x8c: {  	s18 =	sshll.u32 s0, $0xA;
	s2 =	sadd.s32 s3, s2  }
0x8d: {  	s2 =	sadd.s32 s2, s18  }
0x8e: {  	[smem:$0x3FC6] =	sst s2  }
0x8f: {  	_ = 	snop  }
0x90: {  	s2 =	sld [smem:$0x3FC9]  }
0x91: {  	s19 =	sld [smem:$0x3FC8]  }
0x92: {  	s4 =	sld [smem:$0x3FD0];
	(tm) =	ssettm $0x1  }
0x93: {  	s5 =	sld [smem:$0x3FFB];
	_ =	sdelay $0x3  }
0x94: {  	_ =	strace s5  }
0x95: {  	s5 =	sld [smem:$0x3FFC];
	_ =	sdelay $0x3  }
0x96: {  	_ =	strace s5  }
0x97: {  	s5 =	sld [smem:$0x3FFD];
	_ =	sdelay $0x3  }
0x98: {  	_ =	strace s5  }
0x99: {  	_ =	strace $0x8FFFFFFF  }
0x9a: {  	s20 =	sld [smem:$0x3FDB];
	_ =	sdelay $0x1  }
0x9b: {  	s6 =	simm.s32 $_scs_section_size  }
0x9c: {  	s7 =	simm.s32 $_size__tile_overlayer_lowered;
	s8 =	simm.s32 $_tile_overlayer_lowered  }
0x9d: {  	s23 =	simm.s32 $0x1BFF;
	s22 =	sshll.u32 s8, $0x1;
	s5 =	sadd.s32 s6, s20  }
0x9e: {  	s9 =	simm.s32 $0x0;
	s21 =	sshll.u32 s7, $0x1;
	s7 =	sadd.s32 s22, s5  }
0x9f: {  	[timem:s9], [sflag:s23] =	dma.local [hbm:s7], s21  }
0xa0: {  	_ =	swait.ge [sflag:s23], s21  }
0xa1: {  	s6 =	ssub.s32 $0x0, s21;
	[sflag:s23] =	ssyncset.done $0x0  }
0xa2: {  	[sflag:s23] =	ssyncadd.s32 s6;
	_ =	sdelay $0x1  }
0xa3: {  	s24 =	simm.s32 $0x1B8B  }
0xa4: {  	_ =	swait.ge [sflag:s24], $0x1  }
0xa5: {  	[sflag:s24] =	ssyncset.done $0x0  }
0xa6: {  	s25 =	simm.s32 $0x1B8E;
	[sflag:s24] =	ssyncadd.s32 $0xFFFFFFFF  }
0xa7: {  	s26 =	simm.s32 $execute0_lowered;
	[smem:$0x3FD2] =	sst s25  }
0xa8: {  	s6 =	sshll.u32 s26, $0x1;
	_ =	strace $0x80000046;
	[dreg:$0x1] =	wrdreg $0xFFFFFFFF  }
0xa9: {  	s28 =	simm.s32 $_size_execute0_lowered;
	s5 =	sadd.s32 s5, s6;
	[dreg:$0x0] =	wrdreg $0x0  }
0xaa: {  	s6 =	sshll.u32 s28, $0x1;
	[dreg:$0x2] =	wrdreg s5  }
0xab: {  	[dreg:$0x3] =	wrdreg s6  }
0xac: {  	[dreg:$0x4] =	wrdreg $0xC0  }
0xad: {  	_ =	task [dreg:s9], $0x5FFFF  }
0xae: {  	[dreg:$0x1] =	wrdreg $0xFFFFFFFF  }
0xaf: {  	[dreg:$0x0] =	wrdreg $0x60  }
0xb0: {  	[dreg:$0x2] =	wrdreg s19  }
0xb1: {  	[dreg:$0x3] =	wrdreg s2  }
0xb2: {  	[dreg:$0x4] =	wrdreg s4  }
0xb3: {  	[dreg:$0x5] =	wrdreg $0xE1000  }
0xb4: {  	[dreg:$0x6] =	wrdreg $0x9  }
0xb5: {  	_ =	task.clear_ibuf [dreg:s9], $0x7FFFF;
	_ =	strace $0x90000046  }
0xb6: {  	s29 =	simm.s32 $0x9;
	_ =	strace $0x80000048  }
0xb7: {  	_ =	swait.ge [sflag:s29], $0x1  }
0xb8: {  	[sflag:s29] =	ssyncadd.s32 $0xFFFFFFFF  }
0xb9: {  	_ =	strace $0x90000048  }
0xba: {  	_ =	sfence  }
0xbb: {  	s30 =	sld [smem:$0x0];
	_ =	sdelay $0x2  }
0xbc: {  	s31 =	sshll.u32 s1, $0xD;
	s1 =	sshrl.u32 s1, $0x2  }
0xbd: {  	s3 =	sand.u32 $0x4000, s31;
	s1 =	sadd.s32 s1, s30  }
0xbe: {  	s0 =	sor.u32 s3, s0;
	s1 =	sshll.u32 s1, $0x11  }
0xbf: {  	s0 =	sor.u32 s1, s0  }
0xc0: {  	s0 =	sadd.s32 $0x8F2B, s0  }
0xc1: {  	[sflag:s0] =	ssyncadd.remote.s32 $0x1  }
0xc2: {  	_ =	sfence.sel $0xFFFF  }
0xc3: {  	[dreg:$0x0] =	wrdreg $0xFFFFFFFF;
	(pc) =	sbr.abs _section_cstart, $3  }
0xc4: {  	[dreg:$0x1] =	wrdreg $0xFFFFFFFF  }
0xc5: {  	_ =	task.clear_ibuf [dreg:s9], $0x2FFFF;
	_ =	strace $0x9FFFFFFF  }
0xc6: {  	(tm) =	ssettm $0x7FFFFFFF  }
0xc7: {  	_ =	shalt  }
tec
execute0_lowered:
.L_overlay_start_1:
0x0: {  	(tag) =	ssettag $0x1  }
0x1: {  	s10 =	rddreg [dreg:$0x0]  }
0x2: {  	s0 =	rddreg [dreg:$0x1]  }
0x3: {  	s1 =	rddreg [dreg:$0x2]  }
0x4: {  	s3 =	rddreg [dreg:$0x3]  }
0x5: {  	s2 =	srdreg.scid;
	s11 =	stileid.u32  }
0x6: {  	s4 =	simm.s32 $0x0;
	s12 =	simm.s32 $0x28;
	s15 =	simm.s32 $0x3  }
0x7: {  	s17 =	simm.s32 $0x4;
	s19 =	simm.s32 $0x5;
	s28 =	simm.s32 $0x9  }
0x8: {  	s30 =	simm.s32 $0xA;
	s13 =	simm.s32 $0x13;
	s14 =	simm.s32 $0x14  }
0x9: {  	s29 =	simm.s32 $0xA500;
	s31 =	simm.s32 $0xB900;
	s2 =	sand.u32 $0x1, s2  }
0xa: {  	s5 =	sshll.u32 s11, $0x1;
	[smem:$0x7FF] =	sst s4;
	s21 =	sshll.u32 s11, $0x10  }
0xb: {  	s8 =	smul.u32 $0x32000, s11;
	s9 =	sshll.u32 s11, $0xD;
	s22 =	sshll.u32 s11, $0x6  }
0xc: {  	s11 =	simm.s32 $0x0;
	s6 =	ssub.s32 $0x2, s2;
	s5 =	sor.u32 s2, s5  }
0xd: {  	_ =	strace $0x80000047;
	s2 =	smul.u32 $0x19000, s2;
	s9 =	sadd.s32 s10, s9  }
0xe: {  	s23 =	sor.u32 $0x1C15, s22;
	s22 =	simm.s32 $0x1900;
	s10 =	simm.s32 $0xF  }
0xf: {  	s7 =	sshrl.u32 s6, $0x1;
	s5 =	smul.u32 $0x1900, s5;
	[dreg:$0x5] =	wrdreg s9  }
0x10: {  	s1 =	sadd.s32 s8, s1;
	[dreg:$0x6] =	wrdreg s23;
	s23 =	simm.s32 $0x7  }
0x11: {  	s8 =	simm.s32 $0xE;
	s9 =	simm.s32 $0x10;
	s6 =	ssub.s32 s6, s7  }
0x12: {  	s7 =	sadd.s32 s21, s3;
	s1 =	sadd.s32 s2, s1;
	s2 =	simm.s32 $0x2  }
0x13: {  	s21 =	simm.s32 $0x6;
	s5 =	sshrl.u32 s5, $0x3;
	s24 =	smax.u32 s6, $0x1  }
.Ltmp0:
0x14: {  	s25 =	sadd.s32 $0x1680, s1;
	s26 =	sshrl.u32 s7, $0x3;
	(pc) =	sbr.rel .LBB2_1-.Ltmp0, $4  }
0x15: {  	s6 =	simm.s32 $0xC;
	s7 =	simm.s32 $0xD;
	[dreg:$0x8] =	wrdreg s24  }
0x16: {  	s1 =	simm.s32 $0x12;
	s0 =	sadd.s32 s0, s5;
	[dreg:$0x9] =	wrdreg s25  }
0x17: {  	[dreg:$0xa] =	wrdreg s26;
	s24 =	simm.s32 $0x2D00;
	s25 =	simm.s32 $0x8  }
0x18: {  	s5 =	simm.s32 $0xB;
	[dreg:$0x7] =	wrdreg s0;
	s0 =	simm.s32 $0x11  }
.LBB2_4:
0x19: {  	_ =	swait.ge [sflag:s6], $0x1400  }
0x1a: {  	[sflag:s6] =	ssyncset.done $0x0  }
0x1b: {  	[sflag:s6] =	ssyncadd.s32 $0xFFFFEC00  }
0x1c: {  	_ =	swait.ge [sflag:s7], $0x1400  }
0x1d: {  	[sflag:s7] =	ssyncset.done $0x0  }
0x1e: {  	[sflag:s7] =	ssyncadd.s32 $0xFFFFEC00  }
0x1f: {  	_ =	swait.ge [sflag:s8], $0x1400  }
0x20: {  	[sflag:s8] =	ssyncset.done $0x0  }
0x21: {  	[sflag:s8] =	ssyncadd.s32 $0xFFFFEC00  }
0x22: {  	_ =	swait.ge [sflag:s10], $0x1400  }
0x23: {  	[sflag:s10] =	ssyncset.done $0x0  }
0x24: {  	[sflag:s10] =	ssyncadd.s32 $0xFFFFEC00  }
0x25: {  	_ =	swait.ge [sflag:s9], $0x1400  }
0x26: {  	[sflag:s9] =	ssyncset.done $0x0  }
0x27: {  	[sflag:s9] =	ssyncadd.s32 $0xFFFFEC00  }
0x28: {  	_ =	swait.ge [sflag:s0], $0x1400  }
0x29: {  	[sflag:s0] =	ssyncset.done $0x0  }
0x2a: {  	[sflag:s0] =	ssyncadd.s32 $0xFFFFEC00  }
0x2b: {  	_ =	swait.ge [sflag:s1], $0x1400  }
0x2c: {  	[sflag:s1] =	ssyncset.done $0x0  }
0x2d: {  	[sflag:s1] =	ssyncadd.s32 $0xFFFFEC00  }
0x2e: {  	_ =	swait.ge [sflag:s13], $0x1400  }
0x2f: {  	[sflag:s13] =	ssyncset.done $0x0  }
0x30: {  	[sflag:s13] =	ssyncadd.s32 $0xFFFFEC00  }
0x31: {  	_ =	swait.ge [sflag:s14], $0x1400  }
0x32: {  	s11 =	rddreg [dreg:$0xb]  }
0x33: {  	s16 =	rddreg [dreg:$0x8];
	s11 =	sadd.s32 $0x1, s11  }
0x34: {  	p0 =	sne.s32 s11, s16  }
.Ltmp1:
0x35: {  	_ = 	snop;
	(pc) =	sbr.rel @!p0 .LBB2_5-.Ltmp1, $3  }
0x36: {  	_ =	sdelay $0x1  }
0x37: {  	[sflag:s14] =	ssyncset.done $0x0  }
0x38: {  	[sflag:s14] =	ssyncadd.s32 $0xFFFFEC00  }
.LBB2_1:
0x39: {  	[dreg:$0xb] =	wrdreg s11  }
0x3a: {  	s16 =	rddreg [dreg:$0x5]  }
0x3b: {  	s18 =	rddreg [dreg:$0x6]  }
0x3c: {  	s20 =	rddreg [dreg:$0xa]  }
0x3d: {  	[spmem:s20], [sflag:s18] =	dma.local [hbm:s16], $0x2000  }
0x3e: {  	s18 =	simm.s32 $0x1;
	s16 =	rddreg [dreg:$0x7]  }
0x3f: {  	[tilespmem:s4], [sflag:$0x1] =	stream.linear.gather [hbm4b:s16+s4], $0x1900, $0x38;
	[tilespmem:$0x1E100] =	vst v63  }
0x40: {  	_ =	swait.ge [sflag:s18], $0x1900  }
0x41: {  	[sflag:s18] =	ssyncset.done $0x0  }
0x42: {  	[sflag:s18] =	ssyncadd.s32 $0xFFFFE700  }
0x43: {  	s16 =	rddreg [dreg:$0x0]  }
0x44: {  	[tilespmem:s22], [sflag:$0x1] =	stream.indirect.gather [hbm4b:s16+s12], $0x80, s4, s12, $0xb8;
	[tilespmem:$0x1E100] =	vst v63  }
0x45: {  	_ = 	snop  }
0x46: {  	[tilespmem:s24], [sflag:$0x2] =	stream.indirect.gather [hbm4b:s16+s12], $0x80, s12, s12, $0xb8;
	[tilespmem:$0x1E100] =	vst v63  }
0x47: {  	s26 =	simm.s32 $0x4100;
	s20 =	simm.s32 $0x50  }
0x48: {  	[tilespmem:s26], [sflag:$0x3] =	stream.indirect.gather [hbm4b:s16+s12], $0x80, s20, s12, $0xb8;
	[tilespmem:$0x1E100] =	vst v63  }
0x49: {  	s20 =	simm.s32 $0x78;
	s26 =	simm.s32 $0x5500  }
0x4a: {  	[tilespmem:s26], [sflag:$0x4] =	stream.indirect.gather [hbm4b:s16+s12], $0x80, s20, s12, $0xb8;
	[tilespmem:$0x1E100] =	vst v63  }
0x4b: {  	s20 =	simm.s32 $0xA0;
	s26 =	simm.s32 $0x6900  }
0x4c: {  	[tilespmem:s26], [sflag:$0x5] =	stream.indirect.gather [hbm4b:s16+s12], $0x80, s20, s12, $0xb8;
	[tilespmem:$0x1E100] =	vst v63  }
0x4d: {  	s20 =	simm.s32 $0xC8;
	s26 =	simm.s32 $0x7D00  }
0x4e: {  	[tilespmem:s26], [sflag:$0x6] =	stream.indirect.gather [hbm4b:s16+s12], $0x80, s20, s12, $0xb8;
	[tilespmem:$0x1E100] =	vst v63  }
0x4f: {  	s20 =	simm.s32 $0xF0;
	s26 =	simm.s32 $0x9100  }
0x50: {  	[tilespmem:s26], [sflag:$0x7] =	stream.indirect.gather [hbm4b:s16+s12], $0x80, s20, s12, $0xb8;
	[tilespmem:$0x1E100] =	vst v63  }
0x51: {  	s20 =	simm.s32 $0x118;
	s26 =	simm.s32 $0xA500  }
0x52: {  	[tilespmem:s26], [sflag:$0x8] =	stream.indirect.gather [hbm4b:s16+s12], $0x80, s20, s12, $0xb8;
	[tilespmem:$0x1E100] =	vst v63  }
0x53: {  	s11 =	simm.s32 $0x140  }
0x54: {  	[tilespmem:s31], [sflag:$0x9] =	stream.indirect.gather [hbm4b:s16+s12], $0x80, s11, s12, $0xb8;
	[tilespmem:$0x1E100] =	vst v63  }
0x55: {  	s20 =	simm.s32 $0x168;
	s26 =	simm.s32 $0x15;
	s11 =	simm.s32 $0xCD00  }
0x56: {  	[tilespmem:s11], [sflag:$0xA] =	stream.indirect.gather [hbm4b:s16+s12], $0x80, s20, s12, $0xb8;
	[tilespmem:$0x1E100] =	vst v63  }
0x57: {  	_ =	swait.ge [sflag:s26], $0x2000  }
0x58: {  	[sflag:s26] =	ssyncset.done $0x0  }
0x59: {  	[sflag:s26] =	ssyncadd.s32 $0xFFFFE000  }
0x5a: {  	[bflag:$0x0] =	sbarrier.arrive $0xFFFF  }
0x5b: {  	s18 =	simm.s32 $0x0;
	s16 =	rddreg [dreg:$0x9]  }
.LBB2_2:
0x5c: {  	s20 =	simm.s32 $0x1  }
0x5d: {  	_ =	swait.ge [sflag:s20], $0x1400  }
0x5e: {  	[sflag:s20] =	ssyncset.done $0x0  }
0x5f: {  	s26 =	sadd.s32 $0xFFFFE980, s16;
	[sflag:s20] =	ssyncadd.s32 $0xFFFFEC00  }
0x60: {  	[hbm4b:s26+s4] =	stream.linear.scatter [tilespmem:s22], [sflag:$0xB], $0x1400, $0x38;
	[tilespmem:$0x1E100] =	vst v63  }
0x61: {  	_ =	swait.ge [sflag:s2], $0x1400  }
0x62: {  	[sflag:s2] =	ssyncset.done $0x0  }
0x63: {  	s26 =	sadd.s32 $0xFFFFEC00, s16;
	[sflag:s2] =	ssyncadd.s32 $0xFFFFEC00  }
0x64: {  	[hbm4b:s26+s4] =	stream.linear.scatter [tilespmem:s24], [sflag:$0xC], $0x1400, $0x38;
	[tilespmem:$0x1E100] =	vst v63  }
0x65: {  	_ =	swait.ge [sflag:s15], $0x1400  }
0x66: {  	[sflag:s15] =	ssyncset.done $0x0  }
0x67: {  	s20 =	sadd.s32 $0xFFFFEE80, s16;
	s26 =	simm.s32 $0x4100;
	[sflag:s15] =	ssyncadd.s32 $0xFFFFEC00  }
0x68: {  	[hbm4b:s20+s4] =	stream.linear.scatter [tilespmem:s26], [sflag:$0xD], $0x1400, $0x38;
	[tilespmem:$0x1E100] =	vst v63  }
0x69: {  	_ =	swait.ge [sflag:s17], $0x1400  }
0x6a: {  	[sflag:s17] =	ssyncset.done $0x0  }
0x6b: {  	s20 =	sadd.s32 $0xFFFFF100, s16;
	s26 =	simm.s32 $0x5500;
	[sflag:s17] =	ssyncadd.s32 $0xFFFFEC00  }
0x6c: {  	[hbm4b:s20+s4] =	stream.linear.scatter [tilespmem:s26], [sflag:$0xE], $0x1400, $0x38;
	[tilespmem:$0x1E100] =	vst v63  }
0x6d: {  	_ =	swait.ge [sflag:s19], $0x1400  }
0x6e: {  	[sflag:s19] =	ssyncset.done $0x0  }
0x6f: {  	s20 =	sadd.s32 $0xFFFFF380, s16;
	s26 =	simm.s32 $0x6900;
	[sflag:s19] =	ssyncadd.s32 $0xFFFFEC00  }
0x70: {  	[hbm4b:s20+s4] =	stream.linear.scatter [tilespmem:s26], [sflag:$0xF], $0x1400, $0x38;
	[tilespmem:$0x1E100] =	vst v63  }
0x71: {  	_ =	swait.ge [sflag:s21], $0x1400  }
0x72: {  	[sflag:s21] =	ssyncset.done $0x0  }
0x73: {  	s20 =	sadd.s32 $0xFFFFF600, s16;
	s26 =	simm.s32 $0x7D00;
	[sflag:s21] =	ssyncadd.s32 $0xFFFFEC00  }
0x74: {  	[hbm4b:s20+s4] =	stream.linear.scatter [tilespmem:s26], [sflag:$0x10], $0x1400, $0x38;
	[tilespmem:$0x1E100] =	vst v63  }
0x75: {  	_ =	swait.ge [sflag:s23], $0x1400  }
0x76: {  	[sflag:s23] =	ssyncset.done $0x0  }
0x77: {  	s20 =	sadd.s32 $0xFFFFF880, s16;
	s26 =	simm.s32 $0x9100;
	[sflag:s23] =	ssyncadd.s32 $0xFFFFEC00  }
0x78: {  	[hbm4b:s20+s4] =	stream.linear.scatter [tilespmem:s26], [sflag:$0x11], $0x1400, $0x38;
	[tilespmem:$0x1E100] =	vst v63  }
0x79: {  	_ =	swait.ge [sflag:s25], $0x1400  }
0x7a: {  	[sflag:s25] =	ssyncset.done $0x0  }
0x7b: {  	s26 =	sadd.s32 $0xFFFFFB00, s16;
	[sflag:s25] =	ssyncadd.s32 $0xFFFFEC00  }
0x7c: {  	[hbm4b:s26+s4] =	stream.linear.scatter [tilespmem:s29], [sflag:$0x12], $0x1400, $0x38;
	[tilespmem:$0x1E100] =	vst v63  }
0x7d: {  	_ =	swait.ge [sflag:s28], $0x1400  }
0x7e: {  	[sflag:s28] =	ssyncset.done $0x0  }
0x7f: {  	s26 =	sadd.s32 $0xFFFFFD80, s16;
	[sflag:s28] =	ssyncadd.s32 $0xFFFFEC00  }
0x80: {  	[hbm4b:s26+s4] =	stream.linear.scatter [tilespmem:s31], [sflag:$0x13], $0x1400, $0x38;
	[tilespmem:$0x1E100] =	vst v63  }
0x81: {  	_ =	swait.ge [sflag:s30], $0x1400  }
0x82: {  	p0 =	seq.s32 s18, $0x5DC0;
	[sflag:s30] =	ssyncset.done $0x0  }
.Ltmp2:
0x83: {  	[sflag:s30] =	ssyncadd.s32 $0xFFFFEC00;
	(pc) =	sbr.rel @p0 .LBB2_4-.Ltmp2, $4  }
0x84: {  	[hbm4b:s16+s4] =	stream.linear.scatter [tilespmem:s11], [sflag:$0x14], $0x1400, $0x38;
	[tilespmem:$0x1E100] =	vst v63  }
0x85: {  	_ =	swait.ge [sflag:s5], $0x1400  }
0x86: {  	[sflag:s5] =	ssyncset.done $0x0  }
0x87: {  	[sflag:s5] =	ssyncadd.s32 $0xFFFFEC00  }
0x88: {  	s20 =	sshra.s32 s18, $0x2  }
0x89: {  	s24 =	simm.s32 $0x1900;
	s22 =	sadd.s32 $0x190, s20  }
0x8a: {  	[tilespmem:s24], [sflag:$0x1] =	stream.indirect.gather [spmem:s3], $0x80, s22, s12, $0xb8;
	[tilespmem:$0x1E100] =	vst v63  }
0x8b: {  	_ =	swait.ge [sflag:s6], $0x1400  }
0x8c: {  	[sflag:s6] =	ssyncset.done $0x0  }
0x8d: {  	s26 =	sadd.s32 $0x1B8, s20;
	s24 =	simm.s32 $0x2D00;
	[sflag:s6] =	ssyncadd.s32 $0xFFFFEC00  }
0x8e: {  	[tilespmem:s24], [sflag:$0x2] =	stream.indirect.gather [spmem:s3], $0x80, s26, s12, $0xb8;
	[tilespmem:$0x1E100] =	vst v63  }
0x8f: {  	_ =	swait.ge [sflag:s7], $0x1400  }
0x90: {  	[sflag:s7] =	ssyncset.done $0x0  }
0x91: {  	s22 =	sadd.s32 $0x1E0, s20;
	s26 =	simm.s32 $0x4100;
	[sflag:s7] =	ssyncadd.s32 $0xFFFFEC00  }
0x92: {  	[tilespmem:s26], [sflag:$0x3] =	stream.indirect.gather [spmem:s3], $0x80, s22, s12, $0xb8;
	[tilespmem:$0x1E100] =	vst v63  }
0x93: {  	_ =	swait.ge [sflag:s8], $0x1400  }
0x94: {  	[sflag:s8] =	ssyncset.done $0x0  }
0x95: {  	s22 =	sadd.s32 $0x208, s20;
	s26 =	simm.s32 $0x5500;
	[sflag:s8] =	ssyncadd.s32 $0xFFFFEC00  }
0x96: {  	[tilespmem:s26], [sflag:$0x4] =	stream.indirect.gather [spmem:s3], $0x80, s22, s12, $0xb8;
	[tilespmem:$0x1E100] =	vst v63  }
0x97: {  	_ =	swait.ge [sflag:s10], $0x1400  }
0x98: {  	[sflag:s10] =	ssyncset.done $0x0  }
0x99: {  	s22 =	sadd.s32 $0x230, s20;
	s26 =	simm.s32 $0x6900;
	[sflag:s10] =	ssyncadd.s32 $0xFFFFEC00  }
0x9a: {  	[tilespmem:s26], [sflag:$0x5] =	stream.indirect.gather [spmem:s3], $0x80, s22, s12, $0xb8;
	[tilespmem:$0x1E100] =	vst v63  }
0x9b: {  	_ =	swait.ge [sflag:s9], $0x1400  }
0x9c: {  	[sflag:s9] =	ssyncset.done $0x0  }
0x9d: {  	s22 =	sadd.s32 $0x258, s20;
	s26 =	simm.s32 $0x7D00;
	[sflag:s9] =	ssyncadd.s32 $0xFFFFEC00  }
0x9e: {  	[tilespmem:s26], [sflag:$0x6] =	stream.indirect.gather [spmem:s3], $0x80, s22, s12, $0xb8;
	[tilespmem:$0x1E100] =	vst v63  }
0x9f: {  	_ =	swait.ge [sflag:s0], $0x1400  }
0xa0: {  	[sflag:s0] =	ssyncset.done $0x0  }
0xa1: {  	s22 =	sadd.s32 $0x280, s20;
	s26 =	simm.s32 $0x9100;
	[sflag:s0] =	ssyncadd.s32 $0xFFFFEC00  }
0xa2: {  	[tilespmem:s26], [sflag:$0x7] =	stream.indirect.gather [spmem:s3], $0x80, s22, s12, $0xb8;
	[tilespmem:$0x1E100] =	vst v63  }
0xa3: {  	_ =	swait.ge [sflag:s1], $0x1400  }
0xa4: {  	[sflag:s1] =	ssyncset.done $0x0  }
0xa5: {  	s26 =	sadd.s32 $0x2A8, s20;
	[sflag:s1] =	ssyncadd.s32 $0xFFFFEC00  }
0xa6: {  	[tilespmem:s29], [sflag:$0x8] =	stream.indirect.gather [spmem:s3], $0x80, s26, s12, $0xb8;
	[tilespmem:$0x1E100] =	vst v63  }
0xa7: {  	_ =	swait.ge [sflag:s13], $0x1400  }
0xa8: {  	[sflag:s13] =	ssyncset.done $0x0  }
0xa9: {  	s26 =	sadd.s32 $0x2D0, s20;
	[sflag:s13] =	ssyncadd.s32 $0xFFFFEC00  }
0xaa: {  	[tilespmem:s31], [sflag:$0x9] =	stream.indirect.gather [spmem:s3], $0x80, s26, s12, $0xb8;
	[tilespmem:$0x1E100] =	vst v63  }
.Ltmp3:
0xab: {  	_ = 	snop;
	(pc) =	sbr.rel .LBB2_2-.Ltmp3, $4  }
0xac: {  	_ =	swait.ge [sflag:s14], $0x1400  }
0xad: {  	s18 =	sadd.s32 $0x640, s18;
	s16 =	sadd.s32 $0x1900, s16;
	[sflag:s14] =	ssyncset.done $0x0  }
0xae: {  	s22 =	simm.s32 $0x1900;
	s20 =	sadd.s32 $0x2F8, s20;
	[sflag:s14] =	ssyncadd.s32 $0xFFFFEC00  }
0xaf: {  	[tilespmem:s11], [sflag:$0xA] =	stream.indirect.gather [spmem:s3], $0x80, s20, s12, $0xb8;
	[tilespmem:$0x1E100] =	vst v63  }
.LBB2_5:
0xb0: {  	_ =	sfence.sel $0x180000  }
0xb1: {  	[bflag:$0x0] =	sbarrier.arrive $0xFFFF  }
0xb2: {  	_ =	strace $0x90000047  }
0xb3: {  	s0 =	stileid.u32;
	[bflag:$0x2] =	sbarrier.arrive $0xFFFF  }
0xb4: {  	p0 =	sne.s32 s0, $0x0;
	s0 =	rddreg [dreg:$0x4]  }
0xb5: {  	s0 =	sadd.s32 @!p0 $0x100000, s0  }
0xb6: {  	[sflag:s0] =	ssyncadd.tile.s32 @!p0 $0x1;
	_ =	shalt  }
.Lfunc_end2:
_tile_overlayer_lowered:
.L_overlay_start_2:
0xb7: {  	(tag) =	ssettag $0x2  }
0xb8: {  	s0 =	rddreg [dreg:$0x0];
	s2 =	stileid.u32  }
0xb9: {  	s1 =	rddreg [dreg:$0x1];
	p0 =	sne.s32 s2, $0x0  }
0xba: {  	s3 =	rddreg [dreg:$0x2];
	[bflag:$0x3] =	sbarrier.arrive $0xFFFF;
	s2 =	simm.s32 @!p0 $0x1C16  }
0xbb: {  	[timem:s3], [sflag:s2] =	dma.local @!p0 [hbm:s0], s1  }
0xbc: {  	s0 =	simm.s32 @!p0 $0x16  }
0xbd: {  	_ =	swait.ge @!p0 [sflag:s0], s1  }
0xbe: {  	s1 =	ssub.s32 @!p0 $0x0, s1;
	[sflag:s0] =	ssyncset.done @!p0 $0x0  }
0xbf: {  	[sflag:s0] =	ssyncadd.s32 @!p0 s1  }
0xc0: {  	[bflag:$0x3] =	sbarrier.arrive $0xFFFF  }
0xc1: {  	_ =	shalt  }

</sc_bundles>
